<compile_context>
chip_gen: v7x
topology: tpu7x:2x2x1
jax: 0.10.2.dev20260603
libtpu: 0.0.44.dev20260713+nightly
codegen_flags: <defaults>
</compile_context>

<pallas_src>
import jax
import jax.numpy as jnp
from jax import lax
from jax.experimental import pallas as pl
from jax.experimental.pallas import tpu as pltpu
from jax.experimental.pallas import tpu_sc as plsc

_NC = 2
_NS = 16
_L = 16
_NW = _NC * _NS

_N = 1048576
_PER_W = _N // _NW
_NCHUNK = 4
_CHUNK = _PER_W // _NCHUNK
_CSTEPS = _CHUNK // _L
_NBINS = 64


def _sc_body(cards_hbm, rank_hbm, suit_hbm, out_hbm, cards_v, hist_v, rank_v,
             suit_v, part_v, sems, tsem):
  wid = lax.axis_index("s") * _NC + lax.axis_index("c")
  base = wid * _PER_W

  copies = []
  for q in range(_NCHUNK):
    copies.append(
        pltpu.async_copy(
            cards_hbm.at[pl.ds(base + q * _CHUNK, _CHUNK)],
            cards_v.at[pl.ds(q * _CHUNK, _CHUNK)],
            sems.at[q],
        ))
  rank_copy = pltpu.async_copy(rank_hbm, rank_v, tsem)
  suit_copy = pltpu.async_copy(suit_hbm, suit_v, tsem)

  zeros16 = jnp.zeros((_L,), jnp.float32)
  for c in range(_NBINS):
    hist_v[c, pl.ds(0, _L)] = zeros16

  lane = lax.iota(jnp.int32, _L)
  ones = jnp.ones((_L,), jnp.float32)

  for q in range(_NCHUNK):
    copies[q].wait()

    @plsc.parallel_loop(q * _CSTEPS, (q + 1) * _CSTEPS, step=1, unroll=16)
    def _(i):
      c = cards_v[pl.ds(i * _L, _L)]
      plsc.addupdate_scatter(hist_v, [c, lane], ones)

  rank_copy.wait()
  suit_copy.wait()

  inv_n = jnp.float32(1.0 / _N)
  rankvec = jnp.zeros((_L,), jnp.float32)
  srows = [jnp.zeros((_L,), jnp.float32) for _ in range(4)]
  for r in range(13):
    rrow = jnp.zeros((_L,), jnp.float32)
    for s in range(4):
      h = hist_v[13 * s + r, pl.ds(0, _L)]
      rrow = rrow + h
      srows[s] = srows[s] + h
    cnt = jnp.sum(rrow)
    rankvec = rankvec + cnt * (lane == r).astype(jnp.float32)
  rankvec = rankvec * inv_n

  part = jnp.zeros((_L,), jnp.float32)
  lanem = jnp.minimum(lane, 12)
  m13 = (lane < 13).astype(jnp.float32)
  for j in range(8):
    col = plsc.load_gather(rank_v, [lane * 0 + j, lanem])
    dot = jnp.sum(rankvec * col * m13)
    onehot = (lane == j).astype(jnp.float32)
    part = part + dot * onehot
  m8_11 = ((lane >= 8) & (lane < 12)).astype(jnp.float32)
  lane4 = jnp.clip(lane - 8, 0, 3)
  for s in range(4):
    scnt = jnp.sum(srows[s]) * inv_n
    row = plsc.load_gather(suit_v, [lane * 0 + s, lane4])
    part = part + scnt * row * m8_11
  part_v[pl.ds(0, _L)] = part
  pltpu.sync_copy(part_v, out_hbm.at[wid])


@jax.jit
def _sc_hist(cards, rank_embed, suit_embed):
  mesh = plsc.VectorSubcoreMesh(
      core_axis_name="c", subcore_axis_name="s", num_cores=_NC,
      num_subcores=_NS)
  return pl.kernel(
      _sc_body,
      out_type=jax.ShapeDtypeStruct((_NW, _L), jnp.float32),
      mesh=mesh,
      scratch_types=[
          pltpu.VMEM((_PER_W,), jnp.int32),
          pltpu.VMEM((_NBINS, _L), jnp.float32),
          pltpu.VMEM((8, 13), jnp.float32),
          pltpu.VMEM((4, 4), jnp.float32),
          pltpu.VMEM((_L,), jnp.float32),
          pltpu.SemaphoreType.DMA((_NCHUNK,)),
          pltpu.SemaphoreType.DMA,
      ],
      compiler_params=pltpu.CompilerParams(needs_layout_passes=False),
  )(cards, rank_embed, suit_embed)


def kernel(cards, rank_embed, suit_embed):
  cards = cards.astype(jnp.int32)
  partials = _sc_hist(cards, rank_embed.T, suit_embed)
  return partials[:, :12].sum(axis=0)

# --- scband reference (transcript-rebuilt; emitter-appended) ---
"""Pipeline reference for scband-card-embedding-8340826488851 (READ-ONLY COPY).

The authoritative reference and input builder live on the scoring server;
editing this copy changes nothing except your own understanding.
"""

import jax, jax.numpy as jnp
import numpy as np


def setup_inputs(seed: int = 0) -> dict:
    key = jax.random.key(seed)
    k1, k2, k3 = jax.random.split(key, 3)
    cards = jax.random.randint(k1, (1048576,), 0, 52, dtype=jnp.int64)
    rank_embed = jax.random.normal(k2, (13, 8), dtype=jnp.float32)
    suit_embed = jax.random.normal(k3, (4, 4), dtype=jnp.float32)
    return {"cards": cards, "rank_embed": rank_embed, "suit_embed": suit_embed}


def reference(cards, rank_embed, suit_embed):
    ranks = cards % 13
    suits = cards // 13
    rank_vecs = jnp.take(rank_embed, ranks, axis=0)  # [N, 8]
    suit_vecs = jnp.take(suit_embed, suits, axis=0)  # [N, 4]
    return jnp.concatenate([rank_vecs.mean(axis=0), suit_vecs.mean(axis=0)], axis=0)  # [12]

if __name__ == "__main__":
    import jax
    _d = setup_inputs()
    print(jax.jit(kernel)(*tuple(_d.values())))

</pallas_src>

<mosaic_0001>
#map = affine_map<(d0, d1) -> (0)>
#map1 = affine_map<(d0, d1) -> (0, 0)>
module attributes {stable_mosaic.version = 14 : i64} {
  func.func @_sc_body(%arg0: i32, %arg1: i32, %arg2: memref<1048576xi32, #tpu.memory_space<hbm>>, %arg3: memref<8x13xf32, #tpu.memory_space<hbm>>, %arg4: memref<4x4xf32, #tpu.memory_space<hbm>>, %arg5: memref<32x16xf32, #tpu.memory_space<hbm>>, %arg6: memref<32768xi32, #tpu.memory_space<vmem>>, %arg7: memref<64x16xf32, #tpu.memory_space<vmem>>, %arg8: memref<8x13xf32, #tpu.memory_space<vmem>>, %arg9: memref<4x4xf32, #tpu.memory_space<vmem>>, %arg10: memref<16xf32, #tpu.memory_space<vmem>>, %arg11: memref<4x!tpu.dma_semaphore, #tpu.memory_space<semaphore_mem>>, %arg12: memref<!tpu.dma_semaphore, #tpu.memory_space<semaphore_mem>>) attributes {dimension_semantics = [#tpu.dimension_semantics<core_parallel>, #tpu.dimension_semantics<subcore_parallel>], iteration_bounds = array<i64: 2, 16>, scalar_prefetch = 0 : i64, scratch_operands = 7 : i64, tpu.core_type = #tpu.core_type<sc_vector_subcore>, window_params = [{transform_indices = #map}, {transform_indices = #map1}, {transform_indices = #map1}, {transform_indices = #map1}]} {
    %mul3A = arith.constant 2 : i32
    %mul3A_0 = arith.muli %arg1, %mul3A : i32
    %add3A = arith.addi %mul3A_0, %arg0 : i32
    %mul3A_1 = arith.constant 32768 : i32
    %mul3A_2 = arith.muli %add3A, %mul3A_1 : i32
    %add3A_3 = arith.constant 0 : i32
    %add3A_4 = arith.addi %mul3A_2, %add3A_3 : i32
    %dma_start3A = arith.constant 0 : i32
    %dma_start3A_5 = arith.constant 0 : i32
    %dma_start3A_6 = tpu.memref_slice %arg6[%dma_start3A_5] : memref<32768xi32, #tpu.memory_space<vmem>> -> memref<8192xi32, #tpu.memory_space<vmem>>
    %dma_start3A_7 = tpu.memref_slice %arg2[%add3A_4] : memref<1048576xi32, #tpu.memory_space<hbm>> -> memref<8192xi32, #tpu.memory_space<hbm>>
    %dma_start3A_8 = tpu.memref_slice %arg11[%dma_start3A] : memref<4x!tpu.dma_semaphore, #tpu.memory_space<semaphore_mem>> -> memref<1x!tpu.dma_semaphore, #tpu.memory_space<semaphore_mem>>
    %dma_start3A_9 = tpu.memref_squeeze %dma_start3A_8 : memref<1x!tpu.dma_semaphore, #tpu.memory_space<semaphore_mem>> -> memref<!tpu.dma_semaphore, #tpu.memory_space<semaphore_mem>>
    %dma_start3A_10 = arith.constant 0 : i32
    %dma_start3A_11 = tpu.memref_slice %arg6[%dma_start3A_10] : memref<32768xi32, #tpu.memory_space<vmem>> -> memref<8192xi32, #tpu.memory_space<vmem>>
    %dma_start3A_12 = tpu.memref_slice %arg2[%add3A_4] : memref<1048576xi32, #tpu.memory_space<hbm>> -> memref<8192xi32, #tpu.memory_space<hbm>>
    tpu.enqueue_dma source(%dma_start3A_12 : memref<8192xi32, #tpu.memory_space<hbm>>) target(%dma_start3A_11 : memref<8192xi32, #tpu.memory_space<vmem>>) target_semaphore(%dma_start3A_9 : memref<!tpu.dma_semaphore, #tpu.memory_space<semaphore_mem>>)
    %add3A_13 = arith.constant 8192 : i32
    %add3A_14 = arith.addi %mul3A_2, %add3A_13 : i32
    %dma_start3A_15 = arith.constant 1 : i32
    %dma_start3A_16 = arith.constant 8192 : i32
    %dma_start3A_17 = tpu.memref_slice %arg6[%dma_start3A_16] : memref<32768xi32, #tpu.memory_space<vmem>> -> memref<8192xi32, #tpu.memory_space<vmem>>
    %dma_start3A_18 = tpu.memref_slice %arg2[%add3A_14] : memref<1048576xi32, #tpu.memory_space<hbm>> -> memref<8192xi32, #tpu.memory_space<hbm>>
    %dma_start3A_19 = tpu.memref_slice %arg11[%dma_start3A_15] : memref<4x!tpu.dma_semaphore, #tpu.memory_space<semaphore_mem>> -> memref<1x!tpu.dma_semaphore, #tpu.memory_space<semaphore_mem>>
    %dma_start3A_20 = tpu.memref_squeeze %dma_start3A_19 : memref<1x!tpu.dma_semaphore, #tpu.memory_space<semaphore_mem>> -> memref<!tpu.dma_semaphore, #tpu.memory_space<semaphore_mem>>
    %dma_start3A_21 = arith.constant 8192 : i32
    %dma_start3A_22 = tpu.memref_slice %arg6[%dma_start3A_21] : memref<32768xi32, #tpu.memory_space<vmem>> -> memref<8192xi32, #tpu.memory_space<vmem>>
    %dma_start3A_23 = tpu.memref_slice %arg2[%add3A_14] : memref<1048576xi32, #tpu.memory_space<hbm>> -> memref<8192xi32, #tpu.memory_space<hbm>>
    tpu.enqueue_dma source(%dma_start3A_23 : memref<8192xi32, #tpu.memory_space<hbm>>) target(%dma_start3A_22 : memref<8192xi32, #tpu.memory_space<vmem>>) target_semaphore(%dma_start3A_20 : memref<!tpu.dma_semaphore, #tpu.memory_space<semaphore_mem>>)
    %add3A_24 = arith.constant 16384 : i32
    %add3A_25 = arith.addi %mul3A_2, %add3A_24 : i32
    %dma_start3A_26 = arith.constant 2 : i32
    %dma_start3A_27 = arith.constant 16384 : i32
    %dma_start3A_28 = tpu.memref_slice %arg6[%dma_start3A_27] : memref<32768xi32, #tpu.memory_space<vmem>> -> memref<8192xi32, #tpu.memory_space<vmem>>
    %dma_start3A_29 = tpu.memref_slice %arg2[%add3A_25] : memref<1048576xi32, #tpu.memory_space<hbm>> -> memref<8192xi32, #tpu.memory_space<hbm>>
    %dma_start3A_30 = tpu.memref_slice %arg11[%dma_start3A_26] : memref<4x!tpu.dma_semaphore, #tpu.memory_space<semaphore_mem>> -> memref<1x!tpu.dma_semaphore, #tpu.memory_space<semaphore_mem>>
    %dma_start3A_31 = tpu.memref_squeeze %dma_start3A_30 : memref<1x!tpu.dma_semaphore, #tpu.memory_space<semaphore_mem>> -> memref<!tpu.dma_semaphore, #tpu.memory_space<semaphore_mem>>
    %dma_start3A_32 = arith.constant 16384 : i32
    %dma_start3A_33 = tpu.memref_slice %arg6[%dma_start3A_32] : memref<32768xi32, #tpu.memory_space<vmem>> -> memref<8192xi32, #tpu.memory_space<vmem>>
    %dma_start3A_34 = tpu.memref_slice %arg2[%add3A_25] : memref<1048576xi32, #tpu.memory_space<hbm>> -> memref<8192xi32, #tpu.memory_space<hbm>>
    tpu.enqueue_dma source(%dma_start3A_34 : memref<8192xi32, #tpu.memory_space<hbm>>) target(%dma_start3A_33 : memref<8192xi32, #tpu.memory_space<vmem>>) target_semaphore(%dma_start3A_31 : memref<!tpu.dma_semaphore, #tpu.memory_space<semaphore_mem>>)
    %add3A_35 = arith.constant 24576 : i32
    %add3A_36 = arith.addi %mul3A_2, %add3A_35 : i32
    %dma_start3A_37 = arith.constant 3 : i32
    %dma_start3A_38 = arith.constant 24576 : i32
    %dma_start3A_39 = tpu.memref_slice %arg6[%dma_start3A_38] : memref<32768xi32, #tpu.memory_space<vmem>> -> memref<8192xi32, #tpu.memory_space<vmem>>
    %dma_start3A_40 = tpu.memref_slice %arg2[%add3A_36] : memref<1048576xi32, #tpu.memory_space<hbm>> -> memref<8192xi32, #tpu.memory_space<hbm>>
    %dma_start3A_41 = tpu.memref_slice %arg11[%dma_start3A_37] : memref<4x!tpu.dma_semaphore, #tpu.memory_space<semaphore_mem>> -> memref<1x!tpu.dma_semaphore, #tpu.memory_space<semaphore_mem>>
    %dma_start3A_42 = tpu.memref_squeeze %dma_start3A_41 : memref<1x!tpu.dma_semaphore, #tpu.memory_space<semaphore_mem>> -> memref<!tpu.dma_semaphore, #tpu.memory_space<semaphore_mem>>
    %dma_start3A_43 = arith.constant 24576 : i32
    %dma_start3A_44 = tpu.memref_slice %arg6[%dma_start3A_43] : memref<32768xi32, #tpu.memory_space<vmem>> -> memref<8192xi32, #tpu.memory_space<vmem>>
    %dma_start3A_45 = tpu.memref_slice %arg2[%add3A_36] : memref<1048576xi32, #tpu.memory_space<hbm>> -> memref<8192xi32, #tpu.memory_space<hbm>>
    tpu.enqueue_dma source(%dma_start3A_45 : memref<8192xi32, #tpu.memory_space<hbm>>) target(%dma_start3A_44 : memref<8192xi32, #tpu.memory_space<vmem>>) target_semaphore(%dma_start3A_42 : memref<!tpu.dma_semaphore, #tpu.memory_space<semaphore_mem>>)
    tpu.enqueue_dma source(%arg3 : memref<8x13xf32, #tpu.memory_space<hbm>>) target(%arg8 : memref<8x13xf32, #tpu.memory_space<vmem>>) target_semaphore(%arg12 : memref<!tpu.dma_semaphore, #tpu.memory_space<semaphore_mem>>)
    tpu.enqueue_dma source(%arg4 : memref<4x4xf32, #tpu.memory_space<hbm>>) target(%arg9 : memref<4x4xf32, #tpu.memory_space<vmem>>) target_semaphore(%arg12 : memref<!tpu.dma_semaphore, #tpu.memory_space<semaphore_mem>>)
    %broadcast_in_dim3A = arith.constant 0.000000e+00 : f32
    %broadcast_in_dim3A_46 = vector.broadcast %broadcast_in_dim3A : f32 to vector<16xf32>
    %swap3A = arith.constant 0 : i32
    %swap3A_47 = arith.index_cast %swap3A : i32 to index
    %swap3A_48 = arith.constant 0 : index
    %swap3A_49 = tpu.vector_load %arg7[%swap3A_47, %swap3A_48] {strides = array<i32>} : memref<64x16xf32, #tpu.memory_space<vmem>>, vector<16xf32>,
    tpu.vector_store %arg7[%swap3A_47, %swap3A_48], %broadcast_in_dim3A_46 {strides = array<i32>} : memref<64x16xf32, #tpu.memory_space<vmem>>, vector<16xf32>,
    %swap3A_50 = arith.constant 1 : i32
    %swap3A_51 = arith.index_cast %swap3A_50 : i32 to index
    %swap3A_52 = arith.constant 0 : index
    %swap3A_53 = tpu.vector_load %arg7[%swap3A_51, %swap3A_52] {strides = array<i32>} : memref<64x16xf32, #tpu.memory_space<vmem>>, vector<16xf32>,
    tpu.vector_store %arg7[%swap3A_51, %swap3A_52], %broadcast_in_dim3A_46 {strides = array<i32>} : memref<64x16xf32, #tpu.memory_space<vmem>>, vector<16xf32>,
    %swap3A_54 = arith.constant 2 : i32
    %swap3A_55 = arith.index_cast %swap3A_54 : i32 to index
    %swap3A_56 = arith.constant 0 : index
    %swap3A_57 = tpu.vector_load %arg7[%swap3A_55, %swap3A_56] {strides = array<i32>} : memref<64x16xf32, #tpu.memory_space<vmem>>, vector<16xf32>,
    tpu.vector_store %arg7[%swap3A_55, %swap3A_56], %broadcast_in_dim3A_46 {strides = array<i32>} : memref<64x16xf32, #tpu.memory_space<vmem>>, vector<16xf32>,
    %swap3A_58 = arith.constant 3 : i32
    %swap3A_59 = arith.index_cast %swap3A_58 : i32 to index
    %swap3A_60 = arith.constant 0 : index
    %swap3A_61 = tpu.vector_load %arg7[%swap3A_59, %swap3A_60] {strides = array<i32>} : memref<64x16xf32, #tpu.memory_space<vmem>>, vector<16xf32>,
    tpu.vector_store %arg7[%swap3A_59, %swap3A_60], %broadcast_in_dim3A_46 {strides = array<i32>} : memref<64x16xf32, #tpu.memory_space<vmem>>, vector<16xf32>,
    %swap3A_62 = arith.constant 4 : i32
    %swap3A_63 = arith.index_cast %swap3A_62 : i32 to index
    %swap3A_64 = arith.constant 0 : index
    %swap3A_65 = tpu.vector_load %arg7[%swap3A_63, %swap3A_64] {strides = array<i32>} : memref<64x16xf32, #tpu.memory_space<vmem>>, vector<16xf32>,
    tpu.vector_store %arg7[%swap3A_63, %swap3A_64], %broadcast_in_dim3A_46 {strides = array<i32>} : memref<64x16xf32, #tpu.memory_space<vmem>>, vector<16xf32>,
    %swap3A_66 = arith.constant 5 : i32
    %swap3A_67 = arith.index_cast %swap3A_66 : i32 to index
    %swap3A_68 = arith.constant 0 : index
    %swap3A_69 = tpu.vector_load %arg7[%swap3A_67, %swap3A_68] {strides = array<i32>} : memref<64x16xf32, #tpu.memory_space<vmem>>, vector<16xf32>,
    tpu.vector_store %arg7[%swap3A_67, %swap3A_68], %broadcast_in_dim3A_46 {strides = array<i32>} : memref<64x16xf32, #tpu.memory_space<vmem>>, vector<16xf32>,
    %swap3A_70 = arith.constant 6 : i32
    %swap3A_71 = arith.index_cast %swap3A_70 : i32 to index
    %swap3A_72 = arith.constant 0 : index
    %swap3A_73 = tpu.vector_load %arg7[%swap3A_71, %swap3A_72] {strides = array<i32>} : memref<64x16xf32, #tpu.memory_space<vmem>>, vector<16xf32>,
    tpu.vector_store %arg7[%swap3A_71, %swap3A_72], %broadcast_in_dim3A_46 {strides = array<i32>} : memref<64x16xf32, #tpu.memory_space<vmem>>, vector<16xf32>,
    %swap3A_74 = arith.constant 7 : i32
    %swap3A_75 = arith.index_cast %swap3A_74 : i32 to index
    %swap3A_76 = arith.constant 0 : index
    %swap3A_77 = tpu.vector_load %arg7[%swap3A_75, %swap3A_76] {strides = array<i32>} : memref<64x16xf32, #tpu.memory_space<vmem>>, vector<16xf32>,
    tpu.vector_store %arg7[%swap3A_75, %swap3A_76], %broadcast_in_dim3A_46 {strides = array<i32>} : memref<64x16xf32, #tpu.memory_space<vmem>>, vector<16xf32>,
    %swap3A_78 = arith.constant 8 : i32
    %swap3A_79 = arith.index_cast %swap3A_78 : i32 to index
    %swap3A_80 = arith.constant 0 : index
    %swap3A_81 = tpu.vector_load %arg7[%swap3A_79, %swap3A_80] {strides = array<i32>} : memref<64x16xf32, #tpu.memory_space<vmem>>, vector<16xf32>,
    tpu.vector_store %arg7[%swap3A_79, %swap3A_80], %broadcast_in_dim3A_46 {strides = array<i32>} : memref<64x16xf32, #tpu.memory_space<vmem>>, vector<16xf32>,
    %swap3A_82 = arith.constant 9 : i32
    %swap3A_83 = arith.index_cast %swap3A_82 : i32 to index
    %swap3A_84 = arith.constant 0 : index
    %swap3A_85 = tpu.vector_load %arg7[%swap3A_83, %swap3A_84] {strides = array<i32>} : memref<64x16xf32, #tpu.memory_space<vmem>>, vector<16xf32>,
    tpu.vector_store %arg7[%swap3A_83, %swap3A_84], %broadcast_in_dim3A_46 {strides = array<i32>} : memref<64x16xf32, #tpu.memory_space<vmem>>, vector<16xf32>,
    %swap3A_86 = arith.constant 10 : i32
    %swap3A_87 = arith.index_cast %swap3A_86 : i32 to index
    %swap3A_88 = arith.constant 0 : index
    %swap3A_89 = tpu.vector_load %arg7[%swap3A_87, %swap3A_88] {strides = array<i32>} : memref<64x16xf32, #tpu.memory_space<vmem>>, vector<16xf32>,
    tpu.vector_store %arg7[%swap3A_87, %swap3A_88], %broadcast_in_dim3A_46 {strides = array<i32>} : memref<64x16xf32, #tpu.memory_space<vmem>>, vector<16xf32>,
    %swap3A_90 = arith.constant 11 : i32
    %swap3A_91 = arith.index_cast %swap3A_90 : i32 to index
    %swap3A_92 = arith.constant 0 : index
    %swap3A_93 = tpu.vector_load %arg7[%swap3A_91, %swap3A_92] {strides = array<i32>} : memref<64x16xf32, #tpu.memory_space<vmem>>, vector<16xf32>,
    tpu.vector_store %arg7[%swap3A_91, %swap3A_92], %broadcast_in_dim3A_46 {strides = array<i32>} : memref<64x16xf32, #tpu.memory_space<vmem>>, vector<16xf32>,
    %swap3A_94 = arith.constant 12 : i32
    %swap3A_95 = arith.index_cast %swap3A_94 : i32 to index
    %swap3A_96 = arith.constant 0 : index
    %swap3A_97 = tpu.vector_load %arg7[%swap3A_95, %swap3A_96] {strides = array<i32>} : memref<64x16xf32, #tpu.memory_space<vmem>>, vector<16xf32>,
    tpu.vector_store %arg7[%swap3A_95, %swap3A_96], %broadcast_in_dim3A_46 {strides = array<i32>} : memref<64x16xf32, #tpu.memory_space<vmem>>, vector<16xf32>,
    %swap3A_98 = arith.constant 13 : i32
    %swap3A_99 = arith.index_cast %swap3A_98 : i32 to index
    %swap3A_100 = arith.constant 0 : index
    %swap3A_101 = tpu.vector_load %arg7[%swap3A_99, %swap3A_100] {strides = array<i32>} : memref<64x16xf32, #tpu.memory_space<vmem>>, vector<16xf32>,
    tpu.vector_store %arg7[%swap3A_99, %swap3A_100], %broadcast_in_dim3A_46 {strides = array<i32>} : memref<64x16xf32, #tpu.memory_space<vmem>>, vector<16xf32>,
    %swap3A_102 = arith.constant 14 : i32
    %swap3A_103 = arith.index_cast %swap3A_102 : i32 to index
    %swap3A_104 = arith.constant 0 : index
    %swap3A_105 = tpu.vector_load %arg7[%swap3A_103, %swap3A_104] {strides = array<i32>} : memref<64x16xf32, #tpu.memory_space<vmem>>, vector<16xf32>,
    tpu.vector_store %arg7[%swap3A_103, %swap3A_104], %broadcast_in_dim3A_46 {strides = array<i32>} : memref<64x16xf32, #tpu.memory_space<vmem>>, vector<16xf32>,
    %swap3A_106 = arith.constant 15 : i32
    %swap3A_107 = arith.index_cast %swap3A_106 : i32 to index
    %swap3A_108 = arith.constant 0 : index
    %swap3A_109 = tpu.vector_load %arg7[%swap3A_107, %swap3A_108] {strides = array<i32>} : memref<64x16xf32, #tpu.memory_space<vmem>>, vector<16xf32>,
    tpu.vector_store %arg7[%swap3A_107, %swap3A_108], %broadcast_in_dim3A_46 {strides = array<i32>} : memref<64x16xf32, #tpu.memory_space<vmem>>, vector<16xf32>,
    %swap3A_110 = arith.constant 16 : i32
    %swap3A_111 = arith.index_cast %swap3A_110 : i32 to index
    %swap3A_112 = arith.constant 0 : index
    %swap3A_113 = tpu.vector_load %arg7[%swap3A_111, %swap3A_112] {strides = array<i32>} : memref<64x16xf32, #tpu.memory_space<vmem>>, vector<16xf32>,
    tpu.vector_store %arg7[%swap3A_111, %swap3A_112], %broadcast_in_dim3A_46 {strides = array<i32>} : memref<64x16xf32, #tpu.memory_space<vmem>>, vector<16xf32>,
    %swap3A_114 = arith.constant 17 : i32
    %swap3A_115 = arith.index_cast %swap3A_114 : i32 to index
    %swap3A_116 = arith.constant 0 : index
    %swap3A_117 = tpu.vector_load %arg7[%swap3A_115, %swap3A_116] {strides = array<i32>} : memref<64x16xf32, #tpu.memory_space<vmem>>, vector<16xf32>,
    tpu.vector_store %arg7[%swap3A_115, %swap3A_116], %broadcast_in_dim3A_46 {strides = array<i32>} : memref<64x16xf32, #tpu.memory_space<vmem>>, vector<16xf32>,
    %swap3A_118 = arith.constant 18 : i32
    %swap3A_119 = arith.index_cast %swap3A_118 : i32 to index
    %swap3A_120 = arith.constant 0 : index
    %swap3A_121 = tpu.vector_load %arg7[%swap3A_119, %swap3A_120] {strides = array<i32>} : memref<64x16xf32, #tpu.memory_space<vmem>>, vector<16xf32>,
    tpu.vector_store %arg7[%swap3A_119, %swap3A_120], %broadcast_in_dim3A_46 {strides = array<i32>} : memref<64x16xf32, #tpu.memory_space<vmem>>, vector<16xf32>,
    %swap3A_122 = arith.constant 19 : i32
    %swap3A_123 = arith.index_cast %swap3A_122 : i32 to index
    %swap3A_124 = arith.constant 0 : index
    %swap3A_125 = tpu.vector_load %arg7[%swap3A_123, %swap3A_124] {strides = array<i32>} : memref<64x16xf32, #tpu.memory_space<vmem>>, vector<16xf32>,
    tpu.vector_store %arg7[%swap3A_123, %swap3A_124], %broadcast_in_dim3A_46 {strides = array<i32>} : memref<64x16xf32, #tpu.memory_space<vmem>>, vector<16xf32>,
    %swap3A_126 = arith.constant 20 : i32
    %swap3A_127 = arith.index_cast %swap3A_126 : i32 to index
    %swap3A_128 = arith.constant 0 : index
    %swap3A_129 = tpu.vector_load %arg7[%swap3A_127, %swap3A_128] {strides = array<i32>} : memref<64x16xf32, #tpu.memory_space<vmem>>, vector<16xf32>,
    tpu.vector_store %arg7[%swap3A_127, %swap3A_128], %broadcast_in_dim3A_46 {strides = array<i32>} : memref<64x16xf32, #tpu.memory_space<vmem>>, vector<16xf32>,
    %swap3A_130 = arith.constant 21 : i32
    %swap3A_131 = arith.index_cast %swap3A_130 : i32 to index
    %swap3A_132 = arith.constant 0 : index
    %swap3A_133 = tpu.vector_load %arg7[%swap3A_131, %swap3A_132] {strides = array<i32>} : memref<64x16xf32, #tpu.memory_space<vmem>>, vector<16xf32>,
    tpu.vector_store %arg7[%swap3A_131, %swap3A_132], %broadcast_in_dim3A_46 {strides = array<i32>} : memref<64x16xf32, #tpu.memory_space<vmem>>, vector<16xf32>,
    %swap3A_134 = arith.constant 22 : i32
    %swap3A_135 = arith.index_cast %swap3A_134 : i32 to index
    %swap3A_136 = arith.constant 0 : index
    %swap3A_137 = tpu.vector_load %arg7[%swap3A_135, %swap3A_136] {strides = array<i32>} : memref<64x16xf32, #tpu.memory_space<vmem>>, vector<16xf32>,
    tpu.vector_store %arg7[%swap3A_135, %swap3A_136], %broadcast_in_dim3A_46 {strides = array<i32>} : memref<64x16xf32, #tpu.memory_space<vmem>>, vector<16xf32>,
    %swap3A_138 = arith.constant 23 : i32
    %swap3A_139 = arith.index_cast %swap3A_138 : i32 to index
    %swap3A_140 = arith.constant 0 : index
    %swap3A_141 = tpu.vector_load %arg7[%swap3A_139, %swap3A_140] {strides = array<i32>} : memref<64x16xf32, #tpu.memory_space<vmem>>, vector<16xf32>,
    tpu.vector_store %arg7[%swap3A_139, %swap3A_140], %broadcast_in_dim3A_46 {strides = array<i32>} : memref<64x16xf32, #tpu.memory_space<vmem>>, vector<16xf32>,
    %swap3A_142 = arith.constant 24 : i32
    %swap3A_143 = arith.index_cast %swap3A_142 : i32 to index
    %swap3A_144 = arith.constant 0 : index
    %swap3A_145 = tpu.vector_load %arg7[%swap3A_143, %swap3A_144] {strides = array<i32>} : memref<64x16xf32, #tpu.memory_space<vmem>>, vector<16xf32>,
    tpu.vector_store %arg7[%swap3A_143, %swap3A_144], %broadcast_in_dim3A_46 {strides = array<i32>} : memref<64x16xf32, #tpu.memory_space<vmem>>, vector<16xf32>,
    %swap3A_146 = arith.constant 25 : i32
    %swap3A_147 = arith.index_cast %swap3A_146 : i32 to index
    %swap3A_148 = arith.constant 0 : index
    %swap3A_149 = tpu.vector_load %arg7[%swap3A_147, %swap3A_148] {strides = array<i32>} : memref<64x16xf32, #tpu.memory_space<vmem>>, vector<16xf32>,
    tpu.vector_store %arg7[%swap3A_147, %swap3A_148], %broadcast_in_dim3A_46 {strides = array<i32>} : memref<64x16xf32, #tpu.memory_space<vmem>>, vector<16xf32>,
    %swap3A_150 = arith.constant 26 : i32
    %swap3A_151 = arith.index_cast %swap3A_150 : i32 to index
    %swap3A_152 = arith.constant 0 : index
    %swap3A_153 = tpu.vector_load %arg7[%swap3A_151, %swap3A_152] {strides = array<i32>} : memref<64x16xf32, #tpu.memory_space<vmem>>, vector<16xf32>,
    tpu.vector_store %arg7[%swap3A_151, %swap3A_152], %broadcast_in_dim3A_46 {strides = array<i32>} : memref<64x16xf32, #tpu.memory_space<vmem>>, vector<16xf32>,
    %swap3A_154 = arith.constant 27 : i32
    %swap3A_155 = arith.index_cast %swap3A_154 : i32 to index
    %swap3A_156 = arith.constant 0 : index
    %swap3A_157 = tpu.vector_load %arg7[%swap3A_155, %swap3A_156] {strides = array<i32>} : memref<64x16xf32, #tpu.memory_space<vmem>>, vector<16xf32>,
    tpu.vector_store %arg7[%swap3A_155, %swap3A_156], %broadcast_in_dim3A_46 {strides = array<i32>} : memref<64x16xf32, #tpu.memory_space<vmem>>, vector<16xf32>,
    %swap3A_158 = arith.constant 28 : i32
    %swap3A_159 = arith.index_cast %swap3A_158 : i32 to index
    %swap3A_160 = arith.constant 0 : index
    %swap3A_161 = tpu.vector_load %arg7[%swap3A_159, %swap3A_160] {strides = array<i32>} : memref<64x16xf32, #tpu.memory_space<vmem>>, vector<16xf32>,
    tpu.vector_store %arg7[%swap3A_159, %swap3A_160], %broadcast_in_dim3A_46 {strides = array<i32>} : memref<64x16xf32, #tpu.memory_space<vmem>>, vector<16xf32>,
    %swap3A_162 = arith.constant 29 : i32
    %swap3A_163 = arith.index_cast %swap3A_162 : i32 to index
    %swap3A_164 = arith.constant 0 : index
    %swap3A_165 = tpu.vector_load %arg7[%swap3A_163, %swap3A_164] {strides = array<i32>} : memref<64x16xf32, #tpu.memory_space<vmem>>, vector<16xf32>,
    tpu.vector_store %arg7[%swap3A_163, %swap3A_164], %broadcast_in_dim3A_46 {strides = array<i32>} : memref<64x16xf32, #tpu.memory_space<vmem>>, vector<16xf32>,
    %swap3A_166 = arith.constant 30 : i32
    %swap3A_167 = arith.index_cast %swap3A_166 : i32 to index
    %swap3A_168 = arith.constant 0 : index
    %swap3A_169 = tpu.vector_load %arg7[%swap3A_167, %swap3A_168] {strides = array<i32>} : memref<64x16xf32, #tpu.memory_space<vmem>>, vector<16xf32>,
    tpu.vector_store %arg7[%swap3A_167, %swap3A_168], %broadcast_in_dim3A_46 {strides = array<i32>} : memref<64x16xf32, #tpu.memory_space<vmem>>, vector<16xf32>,
    %swap3A_170 = arith.constant 31 : i32
    %swap3A_171 = arith.index_cast %swap3A_170 : i32 to index
    %swap3A_172 = arith.constant 0 : index
    %swap3A_173 = tpu.vector_load %arg7[%swap3A_171, %swap3A_172] {strides = array<i32>} : memref<64x16xf32, #tpu.memory_space<vmem>>, vector<16xf32>,
    tpu.vector_store %arg7[%swap3A_171, %swap3A_172], %broadcast_in_dim3A_46 {strides = array<i32>} : memref<64x16xf32, #tpu.memory_space<vmem>>, vector<16xf32>,
    %swap3A_174 = arith.constant 32 : i32
    %swap3A_175 = arith.index_cast %swap3A_174 : i32 to index
    %swap3A_176 = arith.constant 0 : index
    %swap3A_177 = tpu.vector_load %arg7[%swap3A_175, %swap3A_176] {strides = array<i32>} : memref<64x16xf32, #tpu.memory_space<vmem>>, vector<16xf32>,
    tpu.vector_store %arg7[%swap3A_175, %swap3A_176], %broadcast_in_dim3A_46 {strides = array<i32>} : memref<64x16xf32, #tpu.memory_space<vmem>>, vector<16xf32>,
    %swap3A_178 = arith.constant 33 : i32
    %swap3A_179 = arith.index_cast %swap3A_178 : i32 to index
    %swap3A_180 = arith.constant 0 : index
    %swap3A_181 = tpu.vector_load %arg7[%swap3A_179, %swap3A_180] {strides = array<i32>} : memref<64x16xf32, #tpu.memory_space<vmem>>, vector<16xf32>,
    tpu.vector_store %arg7[%swap3A_179, %swap3A_180], %broadcast_in_dim3A_46 {strides = array<i32>} : memref<64x16xf32, #tpu.memory_space<vmem>>, vector<16xf32>,
    %swap3A_182 = arith.constant 34 : i32
    %swap3A_183 = arith.index_cast %swap3A_182 : i32 to index
    %swap3A_184 = arith.constant 0 : index
    %swap3A_185 = tpu.vector_load %arg7[%swap3A_183, %swap3A_184] {strides = array<i32>} : memref<64x16xf32, #tpu.memory_space<vmem>>, vector<16xf32>,
    tpu.vector_store %arg7[%swap3A_183, %swap3A_184], %broadcast_in_dim3A_46 {strides = array<i32>} : memref<64x16xf32, #tpu.memory_space<vmem>>, vector<16xf32>,
    %swap3A_186 = arith.constant 35 : i32
    %swap3A_187 = arith.index_cast %swap3A_186 : i32 to index
    %swap3A_188 = arith.constant 0 : index
    %swap3A_189 = tpu.vector_load %arg7[%swap3A_187, %swap3A_188] {strides = array<i32>} : memref<64x16xf32, #tpu.memory_space<vmem>>, vector<16xf32>,
    tpu.vector_store %arg7[%swap3A_187, %swap3A_188], %broadcast_in_dim3A_46 {strides = array<i32>} : memref<64x16xf32, #tpu.memory_space<vmem>>, vector<16xf32>,
    %swap3A_190 = arith.constant 36 : i32
    %swap3A_191 = arith.index_cast %swap3A_190 : i32 to index
    %swap3A_192 = arith.constant 0 : index
    %swap3A_193 = tpu.vector_load %arg7[%swap3A_191, %swap3A_192] {strides = array<i32>} : memref<64x16xf32, #tpu.memory_space<vmem>>, vector<16xf32>,
    tpu.vector_store %arg7[%swap3A_191, %swap3A_192], %broadcast_in_dim3A_46 {strides = array<i32>} : memref<64x16xf32, #tpu.memory_space<vmem>>, vector<16xf32>,
    %swap3A_194 = arith.constant 37 : i32
    %swap3A_195 = arith.index_cast %swap3A_194 : i32 to index
    %swap3A_196 = arith.constant 0 : index
    %swap3A_197 = tpu.vector_load %arg7[%swap3A_195, %swap3A_196] {strides = array<i32>} : memref<64x16xf32, #tpu.memory_space<vmem>>, vector<16xf32>,
    tpu.vector_store %arg7[%swap3A_195, %swap3A_196], %broadcast_in_dim3A_46 {strides = array<i32>} : memref<64x16xf32, #tpu.memory_space<vmem>>, vector<16xf32>,
    %swap3A_198 = arith.constant 38 : i32
    %swap3A_199 = arith.index_cast %swap3A_198 : i32 to index
    %swap3A_200 = arith.constant 0 : index
    %swap3A_201 = tpu.vector_load %arg7[%swap3A_199, %swap3A_200] {strides = array<i32>} : memref<64x16xf32, #tpu.memory_space<vmem>>, vector<16xf32>,
    tpu.vector_store %arg7[%swap3A_199, %swap3A_200], %broadcast_in_dim3A_46 {strides = array<i32>} : memref<64x16xf32, #tpu.memory_space<vmem>>, vector<16xf32>,
    %swap3A_202 = arith.constant 39 : i32
    %swap3A_203 = arith.index_cast %swap3A_202 : i32 to index
    %swap3A_204 = arith.constant 0 : index
    %swap3A_205 = tpu.vector_load %arg7[%swap3A_203, %swap3A_204] {strides = array<i32>} : memref<64x16xf32, #tpu.memory_space<vmem>>, vector<16xf32>,
    tpu.vector_store %arg7[%swap3A_203, %swap3A_204], %broadcast_in_dim3A_46 {strides = array<i32>} : memref<64x16xf32, #tpu.memory_space<vmem>>, vector<16xf32>,
    %swap3A_206 = arith.constant 40 : i32
    %swap3A_207 = arith.index_cast %swap3A_206 : i32 to index
    %swap3A_208 = arith.constant 0 : index
    %swap3A_209 = tpu.vector_load %arg7[%swap3A_207, %swap3A_208] {strides = array<i32>} : memref<64x16xf32, #tpu.memory_space<vmem>>, vector<16xf32>,
    tpu.vector_store %arg7[%swap3A_207, %swap3A_208], %broadcast_in_dim3A_46 {strides = array<i32>} : memref<64x16xf32, #tpu.memory_space<vmem>>, vector<16xf32>,
    %swap3A_210 = arith.constant 41 : i32
    %swap3A_211 = arith.index_cast %swap3A_210 : i32 to index
    %swap3A_212 = arith.constant 0 : index
    %swap3A_213 = tpu.vector_load %arg7[%swap3A_211, %swap3A_212] {strides = array<i32>} : memref<64x16xf32, #tpu.memory_space<vmem>>, vector<16xf32>,
    tpu.vector_store %arg7[%swap3A_211, %swap3A_212], %broadcast_in_dim3A_46 {strides = array<i32>} : memref<64x16xf32, #tpu.memory_space<vmem>>, vector<16xf32>,
    %swap3A_214 = arith.constant 42 : i32
    %swap3A_215 = arith.index_cast %swap3A_214 : i32 to index
    %swap3A_216 = arith.constant 0 : index
    %swap3A_217 = tpu.vector_load %arg7[%swap3A_215, %swap3A_216] {strides = array<i32>} : memref<64x16xf32, #tpu.memory_space<vmem>>, vector<16xf32>,
    tpu.vector_store %arg7[%swap3A_215, %swap3A_216], %broadcast_in_dim3A_46 {strides = array<i32>} : memref<64x16xf32, #tpu.memory_space<vmem>>, vector<16xf32>,
    %swap3A_218 = arith.constant 43 : i32
    %swap3A_219 = arith.index_cast %swap3A_218 : i32 to index
    %swap3A_220 = arith.constant 0 : index
    %swap3A_221 = tpu.vector_load %arg7[%swap3A_219, %swap3A_220] {strides = array<i32>} : memref<64x16xf32, #tpu.memory_space<vmem>>, vector<16xf32>,
    tpu.vector_store %arg7[%swap3A_219, %swap3A_220], %broadcast_in_dim3A_46 {strides = array<i32>} : memref<64x16xf32, #tpu.memory_space<vmem>>, vector<16xf32>,
    %swap3A_222 = arith.constant 44 : i32
    %swap3A_223 = arith.index_cast %swap3A_222 : i32 to index
    %swap3A_224 = arith.constant 0 : index
    %swap3A_225 = tpu.vector_load %arg7[%swap3A_223, %swap3A_224] {strides = array<i32>} : memref<64x16xf32, #tpu.memory_space<vmem>>, vector<16xf32>,
    tpu.vector_store %arg7[%swap3A_223, %swap3A_224], %broadcast_in_dim3A_46 {strides = array<i32>} : memref<64x16xf32, #tpu.memory_space<vmem>>, vector<16xf32>,
    %swap3A_226 = arith.constant 45 : i32
    %swap3A_227 = arith.index_cast %swap3A_226 : i32 to index
    %swap3A_228 = arith.constant 0 : index
    %swap3A_229 = tpu.vector_load %arg7[%swap3A_227, %swap3A_228] {strides = array<i32>} : memref<64x16xf32, #tpu.memory_space<vmem>>, vector<16xf32>,
    tpu.vector_store %arg7[%swap3A_227, %swap3A_228], %broadcast_in_dim3A_46 {strides = array<i32>} : memref<64x16xf32, #tpu.memory_space<vmem>>, vector<16xf32>,
    %swap3A_230 = arith.constant 46 : i32
    %swap3A_231 = arith.index_cast %swap3A_230 : i32 to index
    %swap3A_232 = arith.constant 0 : index
    %swap3A_233 = tpu.vector_load %arg7[%swap3A_231, %swap3A_232] {strides = array<i32>} : memref<64x16xf32, #tpu.memory_space<vmem>>, vector<16xf32>,
    tpu.vector_store %arg7[%swap3A_231, %swap3A_232], %broadcast_in_dim3A_46 {strides = array<i32>} : memref<64x16xf32, #tpu.memory_space<vmem>>, vector<16xf32>,
    %swap3A_234 = arith.constant 47 : i32
    %swap3A_235 = arith.index_cast %swap3A_234 : i32 to index
    %swap3A_236 = arith.constant 0 : index
    %swap3A_237 = tpu.vector_load %arg7[%swap3A_235, %swap3A_236] {strides = array<i32>} : memref<64x16xf32, #tpu.memory_space<vmem>>, vector<16xf32>,
    tpu.vector_store %arg7[%swap3A_235, %swap3A_236], %broadcast_in_dim3A_46 {strides = array<i32>} : memref<64x16xf32, #tpu.memory_space<vmem>>, vector<16xf32>,
    %swap3A_238 = arith.constant 48 : i32
    %swap3A_239 = arith.index_cast %swap3A_238 : i32 to index
    %swap3A_240 = arith.constant 0 : index
    %swap3A_241 = tpu.vector_load %arg7[%swap3A_239, %swap3A_240] {strides = array<i32>} : memref<64x16xf32, #tpu.memory_space<vmem>>, vector<16xf32>,
    tpu.vector_store %arg7[%swap3A_239, %swap3A_240], %broadcast_in_dim3A_46 {strides = array<i32>} : memref<64x16xf32, #tpu.memory_space<vmem>>, vector<16xf32>,
    %swap3A_242 = arith.constant 49 : i32
    %swap3A_243 = arith.index_cast %swap3A_242 : i32 to index
    %swap3A_244 = arith.constant 0 : index
    %swap3A_245 = tpu.vector_load %arg7[%swap3A_243, %swap3A_244] {strides = array<i32>} : memref<64x16xf32, #tpu.memory_space<vmem>>, vector<16xf32>,
    tpu.vector_store %arg7[%swap3A_243, %swap3A_244], %broadcast_in_dim3A_46 {strides = array<i32>} : memref<64x16xf32, #tpu.memory_space<vmem>>, vector<16xf32>,
    %swap3A_246 = arith.constant 50 : i32
    %swap3A_247 = arith.index_cast %swap3A_246 : i32 to index
    %swap3A_248 = arith.constant 0 : index
    %swap3A_249 = tpu.vector_load %arg7[%swap3A_247, %swap3A_248] {strides = array<i32>} : memref<64x16xf32, #tpu.memory_space<vmem>>, vector<16xf32>,
    tpu.vector_store %arg7[%swap3A_247, %swap3A_248], %broadcast_in_dim3A_46 {strides = array<i32>} : memref<64x16xf32, #tpu.memory_space<vmem>>, vector<16xf32>,
    %swap3A_250 = arith.constant 51 : i32
    %swap3A_251 = arith.index_cast %swap3A_250 : i32 to index
    %swap3A_252 = arith.constant 0 : index
    %swap3A_253 = tpu.vector_load %arg7[%swap3A_251, %swap3A_252] {strides = array<i32>} : memref<64x16xf32, #tpu.memory_space<vmem>>, vector<16xf32>,
    tpu.vector_store %arg7[%swap3A_251, %swap3A_252], %broadcast_in_dim3A_46 {strides = array<i32>} : memref<64x16xf32, #tpu.memory_space<vmem>>, vector<16xf32>,
    %swap3A_254 = arith.constant 52 : i32
    %swap3A_255 = arith.index_cast %swap3A_254 : i32 to index
    %swap3A_256 = arith.constant 0 : index
    %swap3A_257 = tpu.vector_load %arg7[%swap3A_255, %swap3A_256] {strides = array<i32>} : memref<64x16xf32, #tpu.memory_space<vmem>>, vector<16xf32>,
    tpu.vector_store %arg7[%swap3A_255, %swap3A_256], %broadcast_in_dim3A_46 {strides = array<i32>} : memref<64x16xf32, #tpu.memory_space<vmem>>, vector<16xf32>,
    %swap3A_258 = arith.constant 53 : i32
    %swap3A_259 = arith.index_cast %swap3A_258 : i32 to index
    %swap3A_260 = arith.constant 0 : index
    %swap3A_261 = tpu.vector_load %arg7[%swap3A_259, %swap3A_260] {strides = array<i32>} : memref<64x16xf32, #tpu.memory_space<vmem>>, vector<16xf32>,
    tpu.vector_store %arg7[%swap3A_259, %swap3A_260], %broadcast_in_dim3A_46 {strides = array<i32>} : memref<64x16xf32, #tpu.memory_space<vmem>>, vector<16xf32>,
    %swap3A_262 = arith.constant 54 : i32
    %swap3A_263 = arith.index_cast %swap3A_262 : i32 to index
    %swap3A_264 = arith.constant 0 : index
    %swap3A_265 = tpu.vector_load %arg7[%swap3A_263, %swap3A_264] {strides = array<i32>} : memref<64x16xf32, #tpu.memory_space<vmem>>, vector<16xf32>,
    tpu.vector_store %arg7[%swap3A_263, %swap3A_264], %broadcast_in_dim3A_46 {strides = array<i32>} : memref<64x16xf32, #tpu.memory_space<vmem>>, vector<16xf32>,
    %swap3A_266 = arith.constant 55 : i32
    %swap3A_267 = arith.index_cast %swap3A_266 : i32 to index
    %swap3A_268 = arith.constant 0 : index
    %swap3A_269 = tpu.vector_load %arg7[%swap3A_267, %swap3A_268] {strides = array<i32>} : memref<64x16xf32, #tpu.memory_space<vmem>>, vector<16xf32>,
    tpu.vector_store %arg7[%swap3A_267, %swap3A_268], %broadcast_in_dim3A_46 {strides = array<i32>} : memref<64x16xf32, #tpu.memory_space<vmem>>, vector<16xf32>,
    %swap3A_270 = arith.constant 56 : i32
    %swap3A_271 = arith.index_cast %swap3A_270 : i32 to index
    %swap3A_272 = arith.constant 0 : index
    %swap3A_273 = tpu.vector_load %arg7[%swap3A_271, %swap3A_272] {strides = array<i32>} : memref<64x16xf32, #tpu.memory_space<vmem>>, vector<16xf32>,
    tpu.vector_store %arg7[%swap3A_271, %swap3A_272], %broadcast_in_dim3A_46 {strides = array<i32>} : memref<64x16xf32, #tpu.memory_space<vmem>>, vector<16xf32>,
    %swap3A_274 = arith.constant 57 : i32
    %swap3A_275 = arith.index_cast %swap3A_274 : i32 to index
    %swap3A_276 = arith.constant 0 : index
    %swap3A_277 = tpu.vector_load %arg7[%swap3A_275, %swap3A_276] {strides = array<i32>} : memref<64x16xf32, #tpu.memory_space<vmem>>, vector<16xf32>,
    tpu.vector_store %arg7[%swap3A_275, %swap3A_276], %broadcast_in_dim3A_46 {strides = array<i32>} : memref<64x16xf32, #tpu.memory_space<vmem>>, vector<16xf32>,
    %swap3A_278 = arith.constant 58 : i32
    %swap3A_279 = arith.index_cast %swap3A_278 : i32 to index
    %swap3A_280 = arith.constant 0 : index
    %swap3A_281 = tpu.vector_load %arg7[%swap3A_279, %swap3A_280] {strides = array<i32>} : memref<64x16xf32, #tpu.memory_space<vmem>>, vector<16xf32>,
    tpu.vector_store %arg7[%swap3A_279, %swap3A_280], %broadcast_in_dim3A_46 {strides = array<i32>} : memref<64x16xf32, #tpu.memory_space<vmem>>, vector<16xf32>,
    %swap3A_282 = arith.constant 59 : i32
    %swap3A_283 = arith.index_cast %swap3A_282 : i32 to index
    %swap3A_284 = arith.constant 0 : index
    %swap3A_285 = tpu.vector_load %arg7[%swap3A_283, %swap3A_284] {strides = array<i32>} : memref<64x16xf32, #tpu.memory_space<vmem>>, vector<16xf32>,
    tpu.vector_store %arg7[%swap3A_283, %swap3A_284], %broadcast_in_dim3A_46 {strides = array<i32>} : memref<64x16xf32, #tpu.memory_space<vmem>>, vector<16xf32>,
    %swap3A_286 = arith.constant 60 : i32
    %swap3A_287 = arith.index_cast %swap3A_286 : i32 to index
    %swap3A_288 = arith.constant 0 : index
    %swap3A_289 = tpu.vector_load %arg7[%swap3A_287, %swap3A_288] {strides = array<i32>} : memref<64x16xf32, #tpu.memory_space<vmem>>, vector<16xf32>,
    tpu.vector_store %arg7[%swap3A_287, %swap3A_288], %broadcast_in_dim3A_46 {strides = array<i32>} : memref<64x16xf32, #tpu.memory_space<vmem>>, vector<16xf32>,
    %swap3A_290 = arith.constant 61 : i32
    %swap3A_291 = arith.index_cast %swap3A_290 : i32 to index
    %swap3A_292 = arith.constant 0 : index
    %swap3A_293 = tpu.vector_load %arg7[%swap3A_291, %swap3A_292] {strides = array<i32>} : memref<64x16xf32, #tpu.memory_space<vmem>>, vector<16xf32>,
    tpu.vector_store %arg7[%swap3A_291, %swap3A_292], %broadcast_in_dim3A_46 {strides = array<i32>} : memref<64x16xf32, #tpu.memory_space<vmem>>, vector<16xf32>,
    %swap3A_294 = arith.constant 62 : i32
    %swap3A_295 = arith.index_cast %swap3A_294 : i32 to index
    %swap3A_296 = arith.constant 0 : index
    %swap3A_297 = tpu.vector_load %arg7[%swap3A_295, %swap3A_296] {strides = array<i32>} : memref<64x16xf32, #tpu.memory_space<vmem>>, vector<16xf32>,
    tpu.vector_store %arg7[%swap3A_295, %swap3A_296], %broadcast_in_dim3A_46 {strides = array<i32>} : memref<64x16xf32, #tpu.memory_space<vmem>>, vector<16xf32>,
    %swap3A_298 = arith.constant 63 : i32
    %swap3A_299 = arith.index_cast %swap3A_298 : i32 to index
    %swap3A_300 = arith.constant 0 : index
    %swap3A_301 = tpu.vector_load %arg7[%swap3A_299, %swap3A_300] {strides = array<i32>} : memref<64x16xf32, #tpu.memory_space<vmem>>, vector<16xf32>,
    tpu.vector_store %arg7[%swap3A_299, %swap3A_300], %broadcast_in_dim3A_46 {strides = array<i32>} : memref<64x16xf32, #tpu.memory_space<vmem>>, vector<16xf32>,
    %iota3A = tpu.iota {dimensions = array<i32: 0>} : vector<16xi32>
    %broadcast_in_dim3A_302 = arith.constant 1.000000e+00 : f32
    %broadcast_in_dim3A_303 = vector.broadcast %broadcast_in_dim3A_302 : f32 to vector<16xf32>
    %dma_wait3A = arith.constant 0 : i32
    %dma_wait3A_304 = arith.constant 0 : i32
    %dma_wait3A_305 = tpu.memref_slice %arg6[%dma_wait3A_304] : memref<32768xi32, #tpu.memory_space<vmem>> -> memref<8192xi32, #tpu.memory_space<vmem>>
    %dma_wait3A_306 = tpu.memref_slice %arg2[%add3A_4] : memref<1048576xi32, #tpu.memory_space<hbm>> -> memref<8192xi32, #tpu.memory_space<hbm>>
    %dma_wait3A_307 = tpu.memref_slice %arg11[%dma_wait3A] : memref<4x!tpu.dma_semaphore, #tpu.memory_space<semaphore_mem>> -> memref<1x!tpu.dma_semaphore, #tpu.memory_space<semaphore_mem>>
    %dma_wait3A_308 = tpu.memref_squeeze %dma_wait3A_307 : memref<1x!tpu.dma_semaphore, #tpu.memory_space<semaphore_mem>> -> memref<!tpu.dma_semaphore, #tpu.memory_space<semaphore_mem>>
    %dma_wait3A_309 = arith.constant 0 : i32
    %dma_wait3A_310 = tpu.memref_slice %arg6[%dma_wait3A_309] : memref<32768xi32, #tpu.memory_space<vmem>> -> memref<8192xi32, #tpu.memory_space<vmem>>
    %dma_wait3A_311 = tpu.memref_slice %arg2[%add3A_4] : memref<1048576xi32, #tpu.memory_space<hbm>> -> memref<8192xi32, #tpu.memory_space<hbm>>
    tpu.wait_dma2 semaphore(%dma_wait3A_308 : memref<!tpu.dma_semaphore, #tpu.memory_space<semaphore_mem>>) src(%dma_wait3A_311 : memref<8192xi32, #tpu.memory_space<hbm>>) dst(%dma_wait3A_310 : memref<8192xi32, #tpu.memory_space<vmem>>)
    %parallel_loop3A = arith.constant 0 : i32
    %parallel_loop3A_312 = arith.constant 512 : i32
    %parallel_loop3A_313 = arith.constant 1 : i32
    scf.for %parallel_loop3A_1111 = %parallel_loop3A to %parallel_loop3A_312 step %parallel_loop3A_313  : i32 {
      %parallel_loop3A_1112 = arith.constant 16 : i32
      %parallel_loop3A_1113 = arith.muli %parallel_loop3A_1111, %parallel_loop3A_1112 : i32
      %parallel_loop3A_1114 = arith.index_cast %parallel_loop3A_1113 : i32 to index
      %parallel_loop3A_1115 = tpu.vector_load %arg6[%parallel_loop3A_1114] {strides = array<i32>} : memref<32768xi32, #tpu.memory_space<vmem>>, vector<16xi32>,
      tpu.vector_store_idx %arg7[%parallel_loop3A_1115, %iota3A], %broadcast_in_dim3A_303 {add = true} : memref<64x16xf32, #tpu.memory_space<vmem>>[vector<16xi32>, vector<16xi32>], vector<16xf32>,
    } {sc.loop_unroll_factor = 16 : i64, sc.parallel_access}
    %dma_wait3A_314 = arith.constant 1 : i32
    %dma_wait3A_315 = arith.constant 8192 : i32
    %dma_wait3A_316 = tpu.memref_slice %arg6[%dma_wait3A_315] : memref<32768xi32, #tpu.memory_space<vmem>> -> memref<8192xi32, #tpu.memory_space<vmem>>
    %dma_wait3A_317 = tpu.memref_slice %arg2[%add3A_14] : memref<1048576xi32, #tpu.memory_space<hbm>> -> memref<8192xi32, #tpu.memory_space<hbm>>
    %dma_wait3A_318 = tpu.memref_slice %arg11[%dma_wait3A_314] : memref<4x!tpu.dma_semaphore, #tpu.memory_space<semaphore_mem>> -> memref<1x!tpu.dma_semaphore, #tpu.memory_space<semaphore_mem>>
    %dma_wait3A_319 = tpu.memref_squeeze %dma_wait3A_318 : memref<1x!tpu.dma_semaphore, #tpu.memory_space<semaphore_mem>> -> memref<!tpu.dma_semaphore, #tpu.memory_space<semaphore_mem>>
    %dma_wait3A_320 = arith.constant 8192 : i32
    %dma_wait3A_321 = tpu.memref_slice %arg6[%dma_wait3A_320] : memref<32768xi32, #tpu.memory_space<vmem>> -> memref<8192xi32, #tpu.memory_space<vmem>>
    %dma_wait3A_322 = tpu.memref_slice %arg2[%add3A_14] : memref<1048576xi32, #tpu.memory_space<hbm>> -> memref<8192xi32, #tpu.memory_space<hbm>>
    tpu.wait_dma2 semaphore(%dma_wait3A_319 : memref<!tpu.dma_semaphore, #tpu.memory_space<semaphore_mem>>) src(%dma_wait3A_322 : memref<8192xi32, #tpu.memory_space<hbm>>) dst(%dma_wait3A_321 : memref<8192xi32, #tpu.memory_space<vmem>>)
    %parallel_loop3A_323 = arith.constant 512 : i32
    %parallel_loop3A_324 = arith.constant 1024 : i32
    %parallel_loop3A_325 = arith.constant 1 : i32
    scf.for %parallel_loop3A_1111 = %parallel_loop3A_323 to %parallel_loop3A_324 step %parallel_loop3A_325  : i32 {
      %parallel_loop3A_1112 = arith.constant 16 : i32
      %parallel_loop3A_1113 = arith.muli %parallel_loop3A_1111, %parallel_loop3A_1112 : i32
      %parallel_loop3A_1114 = arith.index_cast %parallel_loop3A_1113 : i32 to index
      %parallel_loop3A_1115 = tpu.vector_load %arg6[%parallel_loop3A_1114] {strides = array<i32>} : memref<32768xi32, #tpu.memory_space<vmem>>, vector<16xi32>,
      tpu.vector_store_idx %arg7[%parallel_loop3A_1115, %iota3A], %broadcast_in_dim3A_303 {add = true} : memref<64x16xf32, #tpu.memory_space<vmem>>[vector<16xi32>, vector<16xi32>], vector<16xf32>,
    } {sc.loop_unroll_factor = 16 : i64, sc.parallel_access}
    %dma_wait3A_326 = arith.constant 2 : i32
    %dma_wait3A_327 = arith.constant 16384 : i32
    %dma_wait3A_328 = tpu.memref_slice %arg6[%dma_wait3A_327] : memref<32768xi32, #tpu.memory_space<vmem>> -> memref<8192xi32, #tpu.memory_space<vmem>>
    %dma_wait3A_329 = tpu.memref_slice %arg2[%add3A_25] : memref<1048576xi32, #tpu.memory_space<hbm>> -> memref<8192xi32, #tpu.memory_space<hbm>>
    %dma_wait3A_330 = tpu.memref_slice %arg11[%dma_wait3A_326] : memref<4x!tpu.dma_semaphore, #tpu.memory_space<semaphore_mem>> -> memref<1x!tpu.dma_semaphore, #tpu.memory_space<semaphore_mem>>
    %dma_wait3A_331 = tpu.memref_squeeze %dma_wait3A_330 : memref<1x!tpu.dma_semaphore, #tpu.memory_space<semaphore_mem>> -> memref<!tpu.dma_semaphore, #tpu.memory_space<semaphore_mem>>
    %dma_wait3A_332 = arith.constant 16384 : i32
    %dma_wait3A_333 = tpu.memref_slice %arg6[%dma_wait3A_332] : memref<32768xi32, #tpu.memory_space<vmem>> -> memref<8192xi32, #tpu.memory_space<vmem>>
    %dma_wait3A_334 = tpu.memref_slice %arg2[%add3A_25] : memref<1048576xi32, #tpu.memory_space<hbm>> -> memref<8192xi32, #tpu.memory_space<hbm>>
    tpu.wait_dma2 semaphore(%dma_wait3A_331 : memref<!tpu.dma_semaphore, #tpu.memory_space<semaphore_mem>>) src(%dma_wait3A_334 : memref<8192xi32, #tpu.memory_space<hbm>>) dst(%dma_wait3A_333 : memref<8192xi32, #tpu.memory_space<vmem>>)
    %parallel_loop3A_335 = arith.constant 1024 : i32
    %parallel_loop3A_336 = arith.constant 1536 : i32
    %parallel_loop3A_337 = arith.constant 1 : i32
    scf.for %parallel_loop3A_1111 = %parallel_loop3A_335 to %parallel_loop3A_336 step %parallel_loop3A_337  : i32 {
      %parallel_loop3A_1112 = arith.constant 16 : i32
      %parallel_loop3A_1113 = arith.muli %parallel_loop3A_1111, %parallel_loop3A_1112 : i32
      %parallel_loop3A_1114 = arith.index_cast %parallel_loop3A_1113 : i32 to index
      %parallel_loop3A_1115 = tpu.vector_load %arg6[%parallel_loop3A_1114] {strides = array<i32>} : memref<32768xi32, #tpu.memory_space<vmem>>, vector<16xi32>,
      tpu.vector_store_idx %arg7[%parallel_loop3A_1115, %iota3A], %broadcast_in_dim3A_303 {add = true} : memref<64x16xf32, #tpu.memory_space<vmem>>[vector<16xi32>, vector<16xi32>], vector<16xf32>,
    } {sc.loop_unroll_factor = 16 : i64, sc.parallel_access}
    %dma_wait3A_338 = arith.constant 3 : i32
    %dma_wait3A_339 = arith.constant 24576 : i32
    %dma_wait3A_340 = tpu.memref_slice %arg6[%dma_wait3A_339] : memref<32768xi32, #tpu.memory_space<vmem>> -> memref<8192xi32, #tpu.memory_space<vmem>>
    %dma_wait3A_341 = tpu.memref_slice %arg2[%add3A_36] : memref<1048576xi32, #tpu.memory_space<hbm>> -> memref<8192xi32, #tpu.memory_space<hbm>>
    %dma_wait3A_342 = tpu.memref_slice %arg11[%dma_wait3A_338] : memref<4x!tpu.dma_semaphore, #tpu.memory_space<semaphore_mem>> -> memref<1x!tpu.dma_semaphore, #tpu.memory_space<semaphore_mem>>
    %dma_wait3A_343 = tpu.memref_squeeze %dma_wait3A_342 : memref<1x!tpu.dma_semaphore, #tpu.memory_space<semaphore_mem>> -> memref<!tpu.dma_semaphore, #tpu.memory_space<semaphore_mem>>
    %dma_wait3A_344 = arith.constant 24576 : i32
    %dma_wait3A_345 = tpu.memref_slice %arg6[%dma_wait3A_344] : memref<32768xi32, #tpu.memory_space<vmem>> -> memref<8192xi32, #tpu.memory_space<vmem>>
    %dma_wait3A_346 = tpu.memref_slice %arg2[%add3A_36] : memref<1048576xi32, #tpu.memory_space<hbm>> -> memref<8192xi32, #tpu.memory_space<hbm>>
    tpu.wait_dma2 semaphore(%dma_wait3A_343 : memref<!tpu.dma_semaphore, #tpu.memory_space<semaphore_mem>>) src(%dma_wait3A_346 : memref<8192xi32, #tpu.memory_space<hbm>>) dst(%dma_wait3A_345 : memref<8192xi32, #tpu.memory_space<vmem>>)
    %parallel_loop3A_347 = arith.constant 1536 : i32
    %parallel_loop3A_348 = arith.constant 2048 : i32
    %parallel_loop3A_349 = arith.constant 1 : i32
    scf.for %parallel_loop3A_1111 = %parallel_loop3A_347 to %parallel_loop3A_348 step %parallel_loop3A_349  : i32 {
      %parallel_loop3A_1112 = arith.constant 16 : i32
      %parallel_loop3A_1113 = arith.muli %parallel_loop3A_1111, %parallel_loop3A_1112 : i32
      %parallel_loop3A_1114 = arith.index_cast %parallel_loop3A_1113 : i32 to index
      %parallel_loop3A_1115 = tpu.vector_load %arg6[%parallel_loop3A_1114] {strides = array<i32>} : memref<32768xi32, #tpu.memory_space<vmem>>, vector<16xi32>,
      tpu.vector_store_idx %arg7[%parallel_loop3A_1115, %iota3A], %broadcast_in_dim3A_303 {add = true} : memref<64x16xf32, #tpu.memory_space<vmem>>[vector<16xi32>, vector<16xi32>], vector<16xf32>,
    } {sc.loop_unroll_factor = 16 : i64, sc.parallel_access}
    tpu.wait_dma2 semaphore(%arg12 : memref<!tpu.dma_semaphore, #tpu.memory_space<semaphore_mem>>) src(%arg3 : memref<8x13xf32, #tpu.memory_space<hbm>>) dst(%arg8 : memref<8x13xf32, #tpu.memory_space<vmem>>)
    tpu.wait_dma2 semaphore(%arg12 : memref<!tpu.dma_semaphore, #tpu.memory_space<semaphore_mem>>) src(%arg4 : memref<4x4xf32, #tpu.memory_space<hbm>>) dst(%arg9 : memref<4x4xf32, #tpu.memory_space<vmem>>)
    %broadcast_in_dim3A_350 = arith.constant 0.000000e+00 : f32
    %broadcast_in_dim3A_351 = vector.broadcast %broadcast_in_dim3A_350 : f32 to vector<16xf32>
    %broadcast_in_dim3A_352 = arith.constant 0.000000e+00 : f32
    %broadcast_in_dim3A_353 = vector.broadcast %broadcast_in_dim3A_352 : f32 to vector<16xf32>
    %broadcast_in_dim3A_354 = arith.constant 0.000000e+00 : f32
    %broadcast_in_dim3A_355 = vector.broadcast %broadcast_in_dim3A_354 : f32 to vector<16xf32>
    %broadcast_in_dim3A_356 = arith.constant 0.000000e+00 : f32
    %broadcast_in_dim3A_357 = vector.broadcast %broadcast_in_dim3A_356 : f32 to vector<16xf32>
    %broadcast_in_dim3A_358 = arith.constant 0.000000e+00 : f32
    %broadcast_in_dim3A_359 = vector.broadcast %broadcast_in_dim3A_358 : f32 to vector<16xf32>
    %broadcast_in_dim3A_360 = arith.constant 0.000000e+00 : f32
    %broadcast_in_dim3A_361 = vector.broadcast %broadcast_in_dim3A_360 : f32 to vector<16xf32>
    %get3A = arith.constant 0 : i32
    %get3A_362 = arith.index_cast %get3A : i32 to index
    %get3A_363 = arith.constant 0 : index
    %get3A_364 = tpu.vector_load %arg7[%get3A_362, %get3A_363] {strides = array<i32>} : memref<64x16xf32, #tpu.memory_space<vmem>>, vector<16xf32>,
    %add3A_365 = arith.addf %broadcast_in_dim3A_361, %get3A_364 : vector<16xf32>
    %add3A_366 = arith.addf %broadcast_in_dim3A_353, %get3A_364 : vector<16xf32>
    %get3A_367 = arith.constant 13 : i32
    %get3A_368 = arith.index_cast %get3A_367 : i32 to index
    %get3A_369 = arith.constant 0 : index
    %get3A_370 = tpu.vector_load %arg7[%get3A_368, %get3A_369] {strides = array<i32>} : memref<64x16xf32, #tpu.memory_space<vmem>>, vector<16xf32>,
    %add3A_371 = arith.addf %add3A_365, %get3A_370 : vector<16xf32>
    %add3A_372 = arith.addf %broadcast_in_dim3A_355, %get3A_370 : vector<16xf32>
    %get3A_373 = arith.constant 26 : i32
    %get3A_374 = arith.index_cast %get3A_373 : i32 to index
    %get3A_375 = arith.constant 0 : index
    %get3A_376 = tpu.vector_load %arg7[%get3A_374, %get3A_375] {strides = array<i32>} : memref<64x16xf32, #tpu.memory_space<vmem>>, vector<16xf32>,
    %add3A_377 = arith.addf %add3A_371, %get3A_376 : vector<16xf32>
    %add3A_378 = arith.addf %broadcast_in_dim3A_357, %get3A_376 : vector<16xf32>
    %get3A_379 = arith.constant 39 : i32
    %get3A_380 = arith.index_cast %get3A_379 : i32 to index
    %get3A_381 = arith.constant 0 : index
    %get3A_382 = tpu.vector_load %arg7[%get3A_380, %get3A_381] {strides = array<i32>} : memref<64x16xf32, #tpu.memory_space<vmem>>, vector<16xf32>,
    %add3A_383 = arith.addf %add3A_377, %get3A_382 : vector<16xf32>
    %add3A_384 = arith.addf %broadcast_in_dim3A_359, %get3A_382 : vector<16xf32>
    %reduce_sum3A = arith.constant true
    %reduce_sum3A_385 = vector.broadcast %reduce_sum3A : i1 to vector<16xi1>
    %reduce_sum3A_386 = tpu.scan <sum>, %add3A_383 masked %reduce_sum3A_385 : vector<16xf32>, vector<16xi1> -> vector<16xf32>
    %reduce_sum3A_387 = vector.extract %reduce_sum3A_386[15] : f32 from vector<16xf32>
    %eq3A = arith.constant 0 : i32
    %eq3A_388 = vector.broadcast %eq3A : i32 to vector<16xi32>
    %eq3A_389 = arith.cmpi eq, %iota3A, %eq3A_388 : vector<16xi32>
    %convert_element_type3A = arith.extui %eq3A_389 : vector<16xi1> to vector<16xi32>
    %convert_element_type3A_390 = arith.sitofp %convert_element_type3A : vector<16xi32> to vector<16xf32>
    %mul3A_391 = vector.broadcast %reduce_sum3A_387 : f32 to vector<16xf32>
    %mul3A_392 = arith.mulf %mul3A_391, %convert_element_type3A_390 : vector<16xf32>
    %add3A_393 = arith.addf %broadcast_in_dim3A_351, %mul3A_392 : vector<16xf32>
    %broadcast_in_dim3A_394 = arith.constant 0.000000e+00 : f32
    %broadcast_in_dim3A_395 = vector.broadcast %broadcast_in_dim3A_394 : f32 to vector<16xf32>
    %get3A_396 = arith.constant 1 : i32
    %get3A_397 = arith.index_cast %get3A_396 : i32 to index
    %get3A_398 = arith.constant 0 : index
    %get3A_399 = tpu.vector_load %arg7[%get3A_397, %get3A_398] {strides = array<i32>} : memref<64x16xf32, #tpu.memory_space<vmem>>, vector<16xf32>,
    %add3A_400 = arith.addf %broadcast_in_dim3A_395, %get3A_399 : vector<16xf32>
    %add3A_401 = arith.addf %add3A_366, %get3A_399 : vector<16xf32>
    %get3A_402 = arith.constant 14 : i32
    %get3A_403 = arith.index_cast %get3A_402 : i32 to index
    %get3A_404 = arith.constant 0 : index
    %get3A_405 = tpu.vector_load %arg7[%get3A_403, %get3A_404] {strides = array<i32>} : memref<64x16xf32, #tpu.memory_space<vmem>>, vector<16xf32>,
    %add3A_406 = arith.addf %add3A_400, %get3A_405 : vector<16xf32>
    %add3A_407 = arith.addf %add3A_372, %get3A_405 : vector<16xf32>
    %get3A_408 = arith.constant 27 : i32
    %get3A_409 = arith.index_cast %get3A_408 : i32 to index
    %get3A_410 = arith.constant 0 : index
    %get3A_411 = tpu.vector_load %arg7[%get3A_409, %get3A_410] {strides = array<i32>} : memref<64x16xf32, #tpu.memory_space<vmem>>, vector<16xf32>,
    %add3A_412 = arith.addf %add3A_406, %get3A_411 : vector<16xf32>
    %add3A_413 = arith.addf %add3A_378, %get3A_411 : vector<16xf32>
    %get3A_414 = arith.constant 40 : i32
    %get3A_415 = arith.index_cast %get3A_414 : i32 to index
    %get3A_416 = arith.constant 0 : index
    %get3A_417 = tpu.vector_load %arg7[%get3A_415, %get3A_416] {strides = array<i32>} : memref<64x16xf32, #tpu.memory_space<vmem>>, vector<16xf32>,
    %add3A_418 = arith.addf %add3A_412, %get3A_417 : vector<16xf32>
    %add3A_419 = arith.addf %add3A_384, %get3A_417 : vector<16xf32>
    %reduce_sum3A_420 = arith.constant true
    %reduce_sum3A_421 = vector.broadcast %reduce_sum3A_420 : i1 to vector<16xi1>
    %reduce_sum3A_422 = tpu.scan <sum>, %add3A_418 masked %reduce_sum3A_421 : vector<16xf32>, vector<16xi1> -> vector<16xf32>
    %reduce_sum3A_423 = vector.extract %reduce_sum3A_422[15] : f32 from vector<16xf32>
    %eq3A_424 = arith.constant 1 : i32
    %eq3A_425 = vector.broadcast %eq3A_424 : i32 to vector<16xi32>
    %eq3A_426 = arith.cmpi eq, %iota3A, %eq3A_425 : vector<16xi32>
    %convert_element_type3A_427 = arith.extui %eq3A_426 : vector<16xi1> to vector<16xi32>
    %convert_element_type3A_428 = arith.sitofp %convert_element_type3A_427 : vector<16xi32> to vector<16xf32>
    %mul3A_429 = vector.broadcast %reduce_sum3A_423 : f32 to vector<16xf32>
    %mul3A_430 = arith.mulf %mul3A_429, %convert_element_type3A_428 : vector<16xf32>
    %add3A_431 = arith.addf %add3A_393, %mul3A_430 : vector<16xf32>
    %broadcast_in_dim3A_432 = arith.constant 0.000000e+00 : f32
    %broadcast_in_dim3A_433 = vector.broadcast %broadcast_in_dim3A_432 : f32 to vector<16xf32>
    %get3A_434 = arith.constant 2 : i32
    %get3A_435 = arith.index_cast %get3A_434 : i32 to index
    %get3A_436 = arith.constant 0 : index
    %get3A_437 = tpu.vector_load %arg7[%get3A_435, %get3A_436] {strides = array<i32>} : memref<64x16xf32, #tpu.memory_space<vmem>>, vector<16xf32>,
    %add3A_438 = arith.addf %broadcast_in_dim3A_433, %get3A_437 : vector<16xf32>
    %add3A_439 = arith.addf %add3A_401, %get3A_437 : vector<16xf32>
    %get3A_440 = arith.constant 15 : i32
    %get3A_441 = arith.index_cast %get3A_440 : i32 to index
    %get3A_442 = arith.constant 0 : index
    %get3A_443 = tpu.vector_load %arg7[%get3A_441, %get3A_442] {strides = array<i32>} : memref<64x16xf32, #tpu.memory_space<vmem>>, vector<16xf32>,
    %add3A_444 = arith.addf %add3A_438, %get3A_443 : vector<16xf32>
    %add3A_445 = arith.addf %add3A_407, %get3A_443 : vector<16xf32>
    %get3A_446 = arith.constant 28 : i32
    %get3A_447 = arith.index_cast %get3A_446 : i32 to index
    %get3A_448 = arith.constant 0 : index
    %get3A_449 = tpu.vector_load %arg7[%get3A_447, %get3A_448] {strides = array<i32>} : memref<64x16xf32, #tpu.memory_space<vmem>>, vector<16xf32>,
    %add3A_450 = arith.addf %add3A_444, %get3A_449 : vector<16xf32>
    %add3A_451 = arith.addf %add3A_413, %get3A_449 : vector<16xf32>
    %get3A_452 = arith.constant 41 : i32
    %get3A_453 = arith.index_cast %get3A_452 : i32 to index
    %get3A_454 = arith.constant 0 : index
    %get3A_455 = tpu.vector_load %arg7[%get3A_453, %get3A_454] {strides = array<i32>} : memref<64x16xf32, #tpu.memory_space<vmem>>, vector<16xf32>,
    %add3A_456 = arith.addf %add3A_450, %get3A_455 : vector<16xf32>
    %add3A_457 = arith.addf %add3A_419, %get3A_455 : vector<16xf32>
    %reduce_sum3A_458 = arith.constant true
    %reduce_sum3A_459 = vector.broadcast %reduce_sum3A_458 : i1 to vector<16xi1>
    %reduce_sum3A_460 = tpu.scan <sum>, %add3A_456 masked %reduce_sum3A_459 : vector<16xf32>, vector<16xi1> -> vector<16xf32>
    %reduce_sum3A_461 = vector.extract %reduce_sum3A_460[15] : f32 from vector<16xf32>
    %eq3A_462 = arith.constant 2 : i32
    %eq3A_463 = vector.broadcast %eq3A_462 : i32 to vector<16xi32>
    %eq3A_464 = arith.cmpi eq, %iota3A, %eq3A_463 : vector<16xi32>
    %convert_element_type3A_465 = arith.extui %eq3A_464 : vector<16xi1> to vector<16xi32>
    %convert_element_type3A_466 = arith.sitofp %convert_element_type3A_465 : vector<16xi32> to vector<16xf32>
    %mul3A_467 = vector.broadcast %reduce_sum3A_461 : f32 to vector<16xf32>
    %mul3A_468 = arith.mulf %mul3A_467, %convert_element_type3A_466 : vector<16xf32>
    %add3A_469 = arith.addf %add3A_431, %mul3A_468 : vector<16xf32>
    %broadcast_in_dim3A_470 = arith.constant 0.000000e+00 : f32
    %broadcast_in_dim3A_471 = vector.broadcast %broadcast_in_dim3A_470 : f32 to vector<16xf32>
    %get3A_472 = arith.constant 3 : i32
    %get3A_473 = arith.index_cast %get3A_472 : i32 to index
    %get3A_474 = arith.constant 0 : index
    %get3A_475 = tpu.vector_load %arg7[%get3A_473, %get3A_474] {strides = array<i32>} : memref<64x16xf32, #tpu.memory_space<vmem>>, vector<16xf32>,
    %add3A_476 = arith.addf %broadcast_in_dim3A_471, %get3A_475 : vector<16xf32>
    %add3A_477 = arith.addf %add3A_439, %get3A_475 : vector<16xf32>
    %get3A_478 = arith.constant 16 : i32
    %get3A_479 = arith.index_cast %get3A_478 : i32 to index
    %get3A_480 = arith.constant 0 : index
    %get3A_481 = tpu.vector_load %arg7[%get3A_479, %get3A_480] {strides = array<i32>} : memref<64x16xf32, #tpu.memory_space<vmem>>, vector<16xf32>,
    %add3A_482 = arith.addf %add3A_476, %get3A_481 : vector<16xf32>
    %add3A_483 = arith.addf %add3A_445, %get3A_481 : vector<16xf32>
    %get3A_484 = arith.constant 29 : i32
    %get3A_485 = arith.index_cast %get3A_484 : i32 to index
    %get3A_486 = arith.constant 0 : index
    %get3A_487 = tpu.vector_load %arg7[%get3A_485, %get3A_486] {strides = array<i32>} : memref<64x16xf32, #tpu.memory_space<vmem>>, vector<16xf32>,
    %add3A_488 = arith.addf %add3A_482, %get3A_487 : vector<16xf32>
    %add3A_489 = arith.addf %add3A_451, %get3A_487 : vector<16xf32>
    %get3A_490 = arith.constant 42 : i32
    %get3A_491 = arith.index_cast %get3A_490 : i32 to index
    %get3A_492 = arith.constant 0 : index
    %get3A_493 = tpu.vector_load %arg7[%get3A_491, %get3A_492] {strides = array<i32>} : memref<64x16xf32, #tpu.memory_space<vmem>>, vector<16xf32>,
    %add3A_494 = arith.addf %add3A_488, %get3A_493 : vector<16xf32>
    %add3A_495 = arith.addf %add3A_457, %get3A_493 : vector<16xf32>
    %reduce_sum3A_496 = arith.constant true
    %reduce_sum3A_497 = vector.broadcast %reduce_sum3A_496 : i1 to vector<16xi1>
    %reduce_sum3A_498 = tpu.scan <sum>, %add3A_494 masked %reduce_sum3A_497 : vector<16xf32>, vector<16xi1> -> vector<16xf32>
    %reduce_sum3A_499 = vector.extract %reduce_sum3A_498[15] : f32 from vector<16xf32>
    %eq3A_500 = arith.constant 3 : i32
    %eq3A_501 = vector.broadcast %eq3A_500 : i32 to vector<16xi32>
    %eq3A_502 = arith.cmpi eq, %iota3A, %eq3A_501 : vector<16xi32>
    %convert_element_type3A_503 = arith.extui %eq3A_502 : vector<16xi1> to vector<16xi32>
    %convert_element_type3A_504 = arith.sitofp %convert_element_type3A_503 : vector<16xi32> to vector<16xf32>
    %mul3A_505 = vector.broadcast %reduce_sum3A_499 : f32 to vector<16xf32>
    %mul3A_506 = arith.mulf %mul3A_505, %convert_element_type3A_504 : vector<16xf32>
    %add3A_507 = arith.addf %add3A_469, %mul3A_506 : vector<16xf32>
    %broadcast_in_dim3A_508 = arith.constant 0.000000e+00 : f32
    %broadcast_in_dim3A_509 = vector.broadcast %broadcast_in_dim3A_508 : f32 to vector<16xf32>
    %get3A_510 = arith.constant 4 : i32
    %get3A_511 = arith.index_cast %get3A_510 : i32 to index
    %get3A_512 = arith.constant 0 : index
    %get3A_513 = tpu.vector_load %arg7[%get3A_511, %get3A_512] {strides = array<i32>} : memref<64x16xf32, #tpu.memory_space<vmem>>, vector<16xf32>,
    %add3A_514 = arith.addf %broadcast_in_dim3A_509, %get3A_513 : vector<16xf32>
    %add3A_515 = arith.addf %add3A_477, %get3A_513 : vector<16xf32>
    %get3A_516 = arith.constant 17 : i32
    %get3A_517 = arith.index_cast %get3A_516 : i32 to index
    %get3A_518 = arith.constant 0 : index
    %get3A_519 = tpu.vector_load %arg7[%get3A_517, %get3A_518] {strides = array<i32>} : memref<64x16xf32, #tpu.memory_space<vmem>>, vector<16xf32>,
    %add3A_520 = arith.addf %add3A_514, %get3A_519 : vector<16xf32>
    %add3A_521 = arith.addf %add3A_483, %get3A_519 : vector<16xf32>
    %get3A_522 = arith.constant 30 : i32
    %get3A_523 = arith.index_cast %get3A_522 : i32 to index
    %get3A_524 = arith.constant 0 : index
    %get3A_525 = tpu.vector_load %arg7[%get3A_523, %get3A_524] {strides = array<i32>} : memref<64x16xf32, #tpu.memory_space<vmem>>, vector<16xf32>,
    %add3A_526 = arith.addf %add3A_520, %get3A_525 : vector<16xf32>
    %add3A_527 = arith.addf %add3A_489, %get3A_525 : vector<16xf32>
    %get3A_528 = arith.constant 43 : i32
    %get3A_529 = arith.index_cast %get3A_528 : i32 to index
    %get3A_530 = arith.constant 0 : index
    %get3A_531 = tpu.vector_load %arg7[%get3A_529, %get3A_530] {strides = array<i32>} : memref<64x16xf32, #tpu.memory_space<vmem>>, vector<16xf32>,
    %add3A_532 = arith.addf %add3A_526, %get3A_531 : vector<16xf32>
    %add3A_533 = arith.addf %add3A_495, %get3A_531 : vector<16xf32>
    %reduce_sum3A_534 = arith.constant true
    %reduce_sum3A_535 = vector.broadcast %reduce_sum3A_534 : i1 to vector<16xi1>
    %reduce_sum3A_536 = tpu.scan <sum>, %add3A_532 masked %reduce_sum3A_535 : vector<16xf32>, vector<16xi1> -> vector<16xf32>
    %reduce_sum3A_537 = vector.extract %reduce_sum3A_536[15] : f32 from vector<16xf32>
    %eq3A_538 = arith.constant 4 : i32
    %eq3A_539 = vector.broadcast %eq3A_538 : i32 to vector<16xi32>
    %eq3A_540 = arith.cmpi eq, %iota3A, %eq3A_539 : vector<16xi32>
    %convert_element_type3A_541 = arith.extui %eq3A_540 : vector<16xi1> to vector<16xi32>
    %convert_element_type3A_542 = arith.sitofp %convert_element_type3A_541 : vector<16xi32> to vector<16xf32>
    %mul3A_543 = vector.broadcast %reduce_sum3A_537 : f32 to vector<16xf32>
    %mul3A_544 = arith.mulf %mul3A_543, %convert_element_type3A_542 : vector<16xf32>
    %add3A_545 = arith.addf %add3A_507, %mul3A_544 : vector<16xf32>
    %broadcast_in_dim3A_546 = arith.constant 0.000000e+00 : f32
    %broadcast_in_dim3A_547 = vector.broadcast %broadcast_in_dim3A_546 : f32 to vector<16xf32>
    %get3A_548 = arith.constant 5 : i32
    %get3A_549 = arith.index_cast %get3A_548 : i32 to index
    %get3A_550 = arith.constant 0 : index
    %get3A_551 = tpu.vector_load %arg7[%get3A_549, %get3A_550] {strides = array<i32>} : memref<64x16xf32, #tpu.memory_space<vmem>>, vector<16xf32>,
    %add3A_552 = arith.addf %broadcast_in_dim3A_547, %get3A_551 : vector<16xf32>
    %add3A_553 = arith.addf %add3A_515, %get3A_551 : vector<16xf32>
    %get3A_554 = arith.constant 18 : i32
    %get3A_555 = arith.index_cast %get3A_554 : i32 to index
    %get3A_556 = arith.constant 0 : index
    %get3A_557 = tpu.vector_load %arg7[%get3A_555, %get3A_556] {strides = array<i32>} : memref<64x16xf32, #tpu.memory_space<vmem>>, vector<16xf32>,
    %add3A_558 = arith.addf %add3A_552, %get3A_557 : vector<16xf32>
    %add3A_559 = arith.addf %add3A_521, %get3A_557 : vector<16xf32>
    %get3A_560 = arith.constant 31 : i32
    %get3A_561 = arith.index_cast %get3A_560 : i32 to index
    %get3A_562 = arith.constant 0 : index
    %get3A_563 = tpu.vector_load %arg7[%get3A_561, %get3A_562] {strides = array<i32>} : memref<64x16xf32, #tpu.memory_space<vmem>>, vector<16xf32>,
    %add3A_564 = arith.addf %add3A_558, %get3A_563 : vector<16xf32>
    %add3A_565 = arith.addf %add3A_527, %get3A_563 : vector<16xf32>
    %get3A_566 = arith.constant 44 : i32
    %get3A_567 = arith.index_cast %get3A_566 : i32 to index
    %get3A_568 = arith.constant 0 : index
    %get3A_569 = tpu.vector_load %arg7[%get3A_567, %get3A_568] {strides = array<i32>} : memref<64x16xf32, #tpu.memory_space<vmem>>, vector<16xf32>,
    %add3A_570 = arith.addf %add3A_564, %get3A_569 : vector<16xf32>
    %add3A_571 = arith.addf %add3A_533, %get3A_569 : vector<16xf32>
    %reduce_sum3A_572 = arith.constant true
    %reduce_sum3A_573 = vector.broadcast %reduce_sum3A_572 : i1 to vector<16xi1>
    %reduce_sum3A_574 = tpu.scan <sum>, %add3A_570 masked %reduce_sum3A_573 : vector<16xf32>, vector<16xi1> -> vector<16xf32>
    %reduce_sum3A_575 = vector.extract %reduce_sum3A_574[15] : f32 from vector<16xf32>
    %eq3A_576 = arith.constant 5 : i32
    %eq3A_577 = vector.broadcast %eq3A_576 : i32 to vector<16xi32>
    %eq3A_578 = arith.cmpi eq, %iota3A, %eq3A_577 : vector<16xi32>
    %convert_element_type3A_579 = arith.extui %eq3A_578 : vector<16xi1> to vector<16xi32>
    %convert_element_type3A_580 = arith.sitofp %convert_element_type3A_579 : vector<16xi32> to vector<16xf32>
    %mul3A_581 = vector.broadcast %reduce_sum3A_575 : f32 to vector<16xf32>
    %mul3A_582 = arith.mulf %mul3A_581, %convert_element_type3A_580 : vector<16xf32>
    %add3A_583 = arith.addf %add3A_545, %mul3A_582 : vector<16xf32>
    %broadcast_in_dim3A_584 = arith.constant 0.000000e+00 : f32
    %broadcast_in_dim3A_585 = vector.broadcast %broadcast_in_dim3A_584 : f32 to vector<16xf32>
    %get3A_586 = arith.constant 6 : i32
    %get3A_587 = arith.index_cast %get3A_586 : i32 to index
    %get3A_588 = arith.constant 0 : index
    %get3A_589 = tpu.vector_load %arg7[%get3A_587, %get3A_588] {strides = array<i32>} : memref<64x16xf32, #tpu.memory_space<vmem>>, vector<16xf32>,
    %add3A_590 = arith.addf %broadcast_in_dim3A_585, %get3A_589 : vector<16xf32>
    %add3A_591 = arith.addf %add3A_553, %get3A_589 : vector<16xf32>
    %get3A_592 = arith.constant 19 : i32
    %get3A_593 = arith.index_cast %get3A_592 : i32 to index
    %get3A_594 = arith.constant 0 : index
    %get3A_595 = tpu.vector_load %arg7[%get3A_593, %get3A_594] {strides = array<i32>} : memref<64x16xf32, #tpu.memory_space<vmem>>, vector<16xf32>,
    %add3A_596 = arith.addf %add3A_590, %get3A_595 : vector<16xf32>
    %add3A_597 = arith.addf %add3A_559, %get3A_595 : vector<16xf32>
    %get3A_598 = arith.constant 32 : i32
    %get3A_599 = arith.index_cast %get3A_598 : i32 to index
    %get3A_600 = arith.constant 0 : index
    %get3A_601 = tpu.vector_load %arg7[%get3A_599, %get3A_600] {strides = array<i32>} : memref<64x16xf32, #tpu.memory_space<vmem>>, vector<16xf32>,
    %add3A_602 = arith.addf %add3A_596, %get3A_601 : vector<16xf32>
    %add3A_603 = arith.addf %add3A_565, %get3A_601 : vector<16xf32>
    %get3A_604 = arith.constant 45 : i32
    %get3A_605 = arith.index_cast %get3A_604 : i32 to index
    %get3A_606 = arith.constant 0 : index
    %get3A_607 = tpu.vector_load %arg7[%get3A_605, %get3A_606] {strides = array<i32>} : memref<64x16xf32, #tpu.memory_space<vmem>>, vector<16xf32>,
    %add3A_608 = arith.addf %add3A_602, %get3A_607 : vector<16xf32>
    %add3A_609 = arith.addf %add3A_571, %get3A_607 : vector<16xf32>
    %reduce_sum3A_610 = arith.constant true
    %reduce_sum3A_611 = vector.broadcast %reduce_sum3A_610 : i1 to vector<16xi1>
    %reduce_sum3A_612 = tpu.scan <sum>, %add3A_608 masked %reduce_sum3A_611 : vector<16xf32>, vector<16xi1> -> vector<16xf32>
    %reduce_sum3A_613 = vector.extract %reduce_sum3A_612[15] : f32 from vector<16xf32>
    %eq3A_614 = arith.constant 6 : i32
    %eq3A_615 = vector.broadcast %eq3A_614 : i32 to vector<16xi32>
    %eq3A_616 = arith.cmpi eq, %iota3A, %eq3A_615 : vector<16xi32>
    %convert_element_type3A_617 = arith.extui %eq3A_616 : vector<16xi1> to vector<16xi32>
    %convert_element_type3A_618 = arith.sitofp %convert_element_type3A_617 : vector<16xi32> to vector<16xf32>
    %mul3A_619 = vector.broadcast %reduce_sum3A_613 : f32 to vector<16xf32>
    %mul3A_620 = arith.mulf %mul3A_619, %convert_element_type3A_618 : vector<16xf32>
    %add3A_621 = arith.addf %add3A_583, %mul3A_620 : vector<16xf32>
    %broadcast_in_dim3A_622 = arith.constant 0.000000e+00 : f32
    %broadcast_in_dim3A_623 = vector.broadcast %broadcast_in_dim3A_622 : f32 to vector<16xf32>
    %get3A_624 = arith.constant 7 : i32
    %get3A_625 = arith.index_cast %get3A_624 : i32 to index
    %get3A_626 = arith.constant 0 : index
    %get3A_627 = tpu.vector_load %arg7[%get3A_625, %get3A_626] {strides = array<i32>} : memref<64x16xf32, #tpu.memory_space<vmem>>, vector<16xf32>,
    %add3A_628 = arith.addf %broadcast_in_dim3A_623, %get3A_627 : vector<16xf32>
    %add3A_629 = arith.addf %add3A_591, %get3A_627 : vector<16xf32>
    %get3A_630 = arith.constant 20 : i32
    %get3A_631 = arith.index_cast %get3A_630 : i32 to index
    %get3A_632 = arith.constant 0 : index
    %get3A_633 = tpu.vector_load %arg7[%get3A_631, %get3A_632] {strides = array<i32>} : memref<64x16xf32, #tpu.memory_space<vmem>>, vector<16xf32>,
    %add3A_634 = arith.addf %add3A_628, %get3A_633 : vector<16xf32>
    %add3A_635 = arith.addf %add3A_597, %get3A_633 : vector<16xf32>
    %get3A_636 = arith.constant 33 : i32
    %get3A_637 = arith.index_cast %get3A_636 : i32 to index
    %get3A_638 = arith.constant 0 : index
    %get3A_639 = tpu.vector_load %arg7[%get3A_637, %get3A_638] {strides = array<i32>} : memref<64x16xf32, #tpu.memory_space<vmem>>, vector<16xf32>,
    %add3A_640 = arith.addf %add3A_634, %get3A_639 : vector<16xf32>
    %add3A_641 = arith.addf %add3A_603, %get3A_639 : vector<16xf32>
    %get3A_642 = arith.constant 46 : i32
    %get3A_643 = arith.index_cast %get3A_642 : i32 to index
    %get3A_644 = arith.constant 0 : index
    %get3A_645 = tpu.vector_load %arg7[%get3A_643, %get3A_644] {strides = array<i32>} : memref<64x16xf32, #tpu.memory_space<vmem>>, vector<16xf32>,
    %add3A_646 = arith.addf %add3A_640, %get3A_645 : vector<16xf32>
    %add3A_647 = arith.addf %add3A_609, %get3A_645 : vector<16xf32>
    %reduce_sum3A_648 = arith.constant true
    %reduce_sum3A_649 = vector.broadcast %reduce_sum3A_648 : i1 to vector<16xi1>
    %reduce_sum3A_650 = tpu.scan <sum>, %add3A_646 masked %reduce_sum3A_649 : vector<16xf32>, vector<16xi1> -> vector<16xf32>
    %reduce_sum3A_651 = vector.extract %reduce_sum3A_650[15] : f32 from vector<16xf32>
    %eq3A_652 = arith.constant 7 : i32
    %eq3A_653 = vector.broadcast %eq3A_652 : i32 to vector<16xi32>
    %eq3A_654 = arith.cmpi eq, %iota3A, %eq3A_653 : vector<16xi32>
    %convert_element_type3A_655 = arith.extui %eq3A_654 : vector<16xi1> to vector<16xi32>
    %convert_element_type3A_656 = arith.sitofp %convert_element_type3A_655 : vector<16xi32> to vector<16xf32>
    %mul3A_657 = vector.broadcast %reduce_sum3A_651 : f32 to vector<16xf32>
    %mul3A_658 = arith.mulf %mul3A_657, %convert_element_type3A_656 : vector<16xf32>
    %add3A_659 = arith.addf %add3A_621, %mul3A_658 : vector<16xf32>
    %broadcast_in_dim3A_660 = arith.constant 0.000000e+00 : f32
    %broadcast_in_dim3A_661 = vector.broadcast %broadcast_in_dim3A_660 : f32 to vector<16xf32>
    %get3A_662 = arith.constant 8 : i32
    %get3A_663 = arith.index_cast %get3A_662 : i32 to index
    %get3A_664 = arith.constant 0 : index
    %get3A_665 = tpu.vector_load %arg7[%get3A_663, %get3A_664] {strides = array<i32>} : memref<64x16xf32, #tpu.memory_space<vmem>>, vector<16xf32>,
    %add3A_666 = arith.addf %broadcast_in_dim3A_661, %get3A_665 : vector<16xf32>
    %add3A_667 = arith.addf %add3A_629, %get3A_665 : vector<16xf32>
    %get3A_668 = arith.constant 21 : i32
    %get3A_669 = arith.index_cast %get3A_668 : i32 to index
    %get3A_670 = arith.constant 0 : index
    %get3A_671 = tpu.vector_load %arg7[%get3A_669, %get3A_670] {strides = array<i32>} : memref<64x16xf32, #tpu.memory_space<vmem>>, vector<16xf32>,
    %add3A_672 = arith.addf %add3A_666, %get3A_671 : vector<16xf32>
    %add3A_673 = arith.addf %add3A_635, %get3A_671 : vector<16xf32>
    %get3A_674 = arith.constant 34 : i32
    %get3A_675 = arith.index_cast %get3A_674 : i32 to index
    %get3A_676 = arith.constant 0 : index
    %get3A_677 = tpu.vector_load %arg7[%get3A_675, %get3A_676] {strides = array<i32>} : memref<64x16xf32, #tpu.memory_space<vmem>>, vector<16xf32>,
    %add3A_678 = arith.addf %add3A_672, %get3A_677 : vector<16xf32>
    %add3A_679 = arith.addf %add3A_641, %get3A_677 : vector<16xf32>
    %get3A_680 = arith.constant 47 : i32
    %get3A_681 = arith.index_cast %get3A_680 : i32 to index
    %get3A_682 = arith.constant 0 : index
    %get3A_683 = tpu.vector_load %arg7[%get3A_681, %get3A_682] {strides = array<i32>} : memref<64x16xf32, #tpu.memory_space<vmem>>, vector<16xf32>,
    %add3A_684 = arith.addf %add3A_678, %get3A_683 : vector<16xf32>
    %add3A_685 = arith.addf %add3A_647, %get3A_683 : vector<16xf32>
    %reduce_sum3A_686 = arith.constant true
    %reduce_sum3A_687 = vector.broadcast %reduce_sum3A_686 : i1 to vector<16xi1>
    %reduce_sum3A_688 = tpu.scan <sum>, %add3A_684 masked %reduce_sum3A_687 : vector<16xf32>, vector<16xi1> -> vector<16xf32>
    %reduce_sum3A_689 = vector.extract %reduce_sum3A_688[15] : f32 from vector<16xf32>
    %eq3A_690 = arith.constant 8 : i32
    %eq3A_691 = vector.broadcast %eq3A_690 : i32 to vector<16xi32>
    %eq3A_692 = arith.cmpi eq, %iota3A, %eq3A_691 : vector<16xi32>
    %convert_element_type3A_693 = arith.extui %eq3A_692 : vector<16xi1> to vector<16xi32>
    %convert_element_type3A_694 = arith.sitofp %convert_element_type3A_693 : vector<16xi32> to vector<16xf32>
    %mul3A_695 = vector.broadcast %reduce_sum3A_689 : f32 to vector<16xf32>
    %mul3A_696 = arith.mulf %mul3A_695, %convert_element_type3A_694 : vector<16xf32>
    %add3A_697 = arith.addf %add3A_659, %mul3A_696 : vector<16xf32>
    %broadcast_in_dim3A_698 = arith.constant 0.000000e+00 : f32
    %broadcast_in_dim3A_699 = vector.broadcast %broadcast_in_dim3A_698 : f32 to vector<16xf32>
    %get3A_700 = arith.constant 9 : i32
    %get3A_701 = arith.index_cast %get3A_700 : i32 to index
    %get3A_702 = arith.constant 0 : index
    %get3A_703 = tpu.vector_load %arg7[%get3A_701, %get3A_702] {strides = array<i32>} : memref<64x16xf32, #tpu.memory_space<vmem>>, vector<16xf32>,
    %add3A_704 = arith.addf %broadcast_in_dim3A_699, %get3A_703 : vector<16xf32>
    %add3A_705 = arith.addf %add3A_667, %get3A_703 : vector<16xf32>
    %get3A_706 = arith.constant 22 : i32
    %get3A_707 = arith.index_cast %get3A_706 : i32 to index
    %get3A_708 = arith.constant 0 : index
    %get3A_709 = tpu.vector_load %arg7[%get3A_707, %get3A_708] {strides = array<i32>} : memref<64x16xf32, #tpu.memory_space<vmem>>, vector<16xf32>,
    %add3A_710 = arith.addf %add3A_704, %get3A_709 : vector<16xf32>
    %add3A_711 = arith.addf %add3A_673, %get3A_709 : vector<16xf32>
    %get3A_712 = arith.constant 35 : i32
    %get3A_713 = arith.index_cast %get3A_712 : i32 to index
    %get3A_714 = arith.constant 0 : index
    %get3A_715 = tpu.vector_load %arg7[%get3A_713, %get3A_714] {strides = array<i32>} : memref<64x16xf32, #tpu.memory_space<vmem>>, vector<16xf32>,
    %add3A_716 = arith.addf %add3A_710, %get3A_715 : vector<16xf32>
    %add3A_717 = arith.addf %add3A_679, %get3A_715 : vector<16xf32>
    %get3A_718 = arith.constant 48 : i32
    %get3A_719 = arith.index_cast %get3A_718 : i32 to index
    %get3A_720 = arith.constant 0 : index
    %get3A_721 = tpu.vector_load %arg7[%get3A_719, %get3A_720] {strides = array<i32>} : memref<64x16xf32, #tpu.memory_space<vmem>>, vector<16xf32>,
    %add3A_722 = arith.addf %add3A_716, %get3A_721 : vector<16xf32>
    %add3A_723 = arith.addf %add3A_685, %get3A_721 : vector<16xf32>
    %reduce_sum3A_724 = arith.constant true
    %reduce_sum3A_725 = vector.broadcast %reduce_sum3A_724 : i1 to vector<16xi1>
    %reduce_sum3A_726 = tpu.scan <sum>, %add3A_722 masked %reduce_sum3A_725 : vector<16xf32>, vector<16xi1> -> vector<16xf32>
    %reduce_sum3A_727 = vector.extract %reduce_sum3A_726[15] : f32 from vector<16xf32>
    %eq3A_728 = arith.constant 9 : i32
    %eq3A_729 = vector.broadcast %eq3A_728 : i32 to vector<16xi32>
    %eq3A_730 = arith.cmpi eq, %iota3A, %eq3A_729 : vector<16xi32>
    %convert_element_type3A_731 = arith.extui %eq3A_730 : vector<16xi1> to vector<16xi32>
    %convert_element_type3A_732 = arith.sitofp %convert_element_type3A_731 : vector<16xi32> to vector<16xf32>
    %mul3A_733 = vector.broadcast %reduce_sum3A_727 : f32 to vector<16xf32>
    %mul3A_734 = arith.mulf %mul3A_733, %convert_element_type3A_732 : vector<16xf32>
    %add3A_735 = arith.addf %add3A_697, %mul3A_734 : vector<16xf32>
    %broadcast_in_dim3A_736 = arith.constant 0.000000e+00 : f32
    %broadcast_in_dim3A_737 = vector.broadcast %broadcast_in_dim3A_736 : f32 to vector<16xf32>
    %get3A_738 = arith.constant 10 : i32
    %get3A_739 = arith.index_cast %get3A_738 : i32 to index
    %get3A_740 = arith.constant 0 : index
    %get3A_741 = tpu.vector_load %arg7[%get3A_739, %get3A_740] {strides = array<i32>} : memref<64x16xf32, #tpu.memory_space<vmem>>, vector<16xf32>,
    %add3A_742 = arith.addf %broadcast_in_dim3A_737, %get3A_741 : vector<16xf32>
    %add3A_743 = arith.addf %add3A_705, %get3A_741 : vector<16xf32>
    %get3A_744 = arith.constant 23 : i32
    %get3A_745 = arith.index_cast %get3A_744 : i32 to index
    %get3A_746 = arith.constant 0 : index
    %get3A_747 = tpu.vector_load %arg7[%get3A_745, %get3A_746] {strides = array<i32>} : memref<64x16xf32, #tpu.memory_space<vmem>>, vector<16xf32>,
    %add3A_748 = arith.addf %add3A_742, %get3A_747 : vector<16xf32>
    %add3A_749 = arith.addf %add3A_711, %get3A_747 : vector<16xf32>
    %get3A_750 = arith.constant 36 : i32
    %get3A_751 = arith.index_cast %get3A_750 : i32 to index
    %get3A_752 = arith.constant 0 : index
    %get3A_753 = tpu.vector_load %arg7[%get3A_751, %get3A_752] {strides = array<i32>} : memref<64x16xf32, #tpu.memory_space<vmem>>, vector<16xf32>,
    %add3A_754 = arith.addf %add3A_748, %get3A_753 : vector<16xf32>
    %add3A_755 = arith.addf %add3A_717, %get3A_753 : vector<16xf32>
    %get3A_756 = arith.constant 49 : i32
    %get3A_757 = arith.index_cast %get3A_756 : i32 to index
    %get3A_758 = arith.constant 0 : index
    %get3A_759 = tpu.vector_load %arg7[%get3A_757, %get3A_758] {strides = array<i32>} : memref<64x16xf32, #tpu.memory_space<vmem>>, vector<16xf32>,
    %add3A_760 = arith.addf %add3A_754, %get3A_759 : vector<16xf32>
    %add3A_761 = arith.addf %add3A_723, %get3A_759 : vector<16xf32>
    %reduce_sum3A_762 = arith.constant true
    %reduce_sum3A_763 = vector.broadcast %reduce_sum3A_762 : i1 to vector<16xi1>
    %reduce_sum3A_764 = tpu.scan <sum>, %add3A_760 masked %reduce_sum3A_763 : vector<16xf32>, vector<16xi1> -> vector<16xf32>
    %reduce_sum3A_765 = vector.extract %reduce_sum3A_764[15] : f32 from vector<16xf32>
    %eq3A_766 = arith.constant 10 : i32
    %eq3A_767 = vector.broadcast %eq3A_766 : i32 to vector<16xi32>
    %eq3A_768 = arith.cmpi eq, %iota3A, %eq3A_767 : vector<16xi32>
    %convert_element_type3A_769 = arith.extui %eq3A_768 : vector<16xi1> to vector<16xi32>
    %convert_element_type3A_770 = arith.sitofp %convert_element_type3A_769 : vector<16xi32> to vector<16xf32>
    %mul3A_771 = vector.broadcast %reduce_sum3A_765 : f32 to vector<16xf32>
    %mul3A_772 = arith.mulf %mul3A_771, %convert_element_type3A_770 : vector<16xf32>
    %add3A_773 = arith.addf %add3A_735, %mul3A_772 : vector<16xf32>
    %broadcast_in_dim3A_774 = arith.constant 0.000000e+00 : f32
    %broadcast_in_dim3A_775 = vector.broadcast %broadcast_in_dim3A_774 : f32 to vector<16xf32>
    %get3A_776 = arith.constant 11 : i32
    %get3A_777 = arith.index_cast %get3A_776 : i32 to index
    %get3A_778 = arith.constant 0 : index
    %get3A_779 = tpu.vector_load %arg7[%get3A_777, %get3A_778] {strides = array<i32>} : memref<64x16xf32, #tpu.memory_space<vmem>>, vector<16xf32>,
    %add3A_780 = arith.addf %broadcast_in_dim3A_775, %get3A_779 : vector<16xf32>
    %add3A_781 = arith.addf %add3A_743, %get3A_779 : vector<16xf32>
    %get3A_782 = arith.constant 24 : i32
    %get3A_783 = arith.index_cast %get3A_782 : i32 to index
    %get3A_784 = arith.constant 0 : index
    %get3A_785 = tpu.vector_load %arg7[%get3A_783, %get3A_784] {strides = array<i32>} : memref<64x16xf32, #tpu.memory_space<vmem>>, vector<16xf32>,
    %add3A_786 = arith.addf %add3A_780, %get3A_785 : vector<16xf32>
    %add3A_787 = arith.addf %add3A_749, %get3A_785 : vector<16xf32>
    %get3A_788 = arith.constant 37 : i32
    %get3A_789 = arith.index_cast %get3A_788 : i32 to index
    %get3A_790 = arith.constant 0 : index
    %get3A_791 = tpu.vector_load %arg7[%get3A_789, %get3A_790] {strides = array<i32>} : memref<64x16xf32, #tpu.memory_space<vmem>>, vector<16xf32>,
    %add3A_792 = arith.addf %add3A_786, %get3A_791 : vector<16xf32>
    %add3A_793 = arith.addf %add3A_755, %get3A_791 : vector<16xf32>
    %get3A_794 = arith.constant 50 : i32
    %get3A_795 = arith.index_cast %get3A_794 : i32 to index
    %get3A_796 = arith.constant 0 : index
    %get3A_797 = tpu.vector_load %arg7[%get3A_795, %get3A_796] {strides = array<i32>} : memref<64x16xf32, #tpu.memory_space<vmem>>, vector<16xf32>,
    %add3A_798 = arith.addf %add3A_792, %get3A_797 : vector<16xf32>
    %add3A_799 = arith.addf %add3A_761, %get3A_797 : vector<16xf32>
    %reduce_sum3A_800 = arith.constant true
    %reduce_sum3A_801 = vector.broadcast %reduce_sum3A_800 : i1 to vector<16xi1>
    %reduce_sum3A_802 = tpu.scan <sum>, %add3A_798 masked %reduce_sum3A_801 : vector<16xf32>, vector<16xi1> -> vector<16xf32>
    %reduce_sum3A_803 = vector.extract %reduce_sum3A_802[15] : f32 from vector<16xf32>
    %eq3A_804 = arith.constant 11 : i32
    %eq3A_805 = vector.broadcast %eq3A_804 : i32 to vector<16xi32>
    %eq3A_806 = arith.cmpi eq, %iota3A, %eq3A_805 : vector<16xi32>
    %convert_element_type3A_807 = arith.extui %eq3A_806 : vector<16xi1> to vector<16xi32>
    %convert_element_type3A_808 = arith.sitofp %convert_element_type3A_807 : vector<16xi32> to vector<16xf32>
    %mul3A_809 = vector.broadcast %reduce_sum3A_803 : f32 to vector<16xf32>
    %mul3A_810 = arith.mulf %mul3A_809, %convert_element_type3A_808 : vector<16xf32>
    %add3A_811 = arith.addf %add3A_773, %mul3A_810 : vector<16xf32>
    %broadcast_in_dim3A_812 = arith.constant 0.000000e+00 : f32
    %broadcast_in_dim3A_813 = vector.broadcast %broadcast_in_dim3A_812 : f32 to vector<16xf32>
    %get3A_814 = arith.constant 12 : i32
    %get3A_815 = arith.index_cast %get3A_814 : i32 to index
    %get3A_816 = arith.constant 0 : index
    %get3A_817 = tpu.vector_load %arg7[%get3A_815, %get3A_816] {strides = array<i32>} : memref<64x16xf32, #tpu.memory_space<vmem>>, vector<16xf32>,
    %add3A_818 = arith.addf %broadcast_in_dim3A_813, %get3A_817 : vector<16xf32>
    %add3A_819 = arith.addf %add3A_781, %get3A_817 : vector<16xf32>
    %get3A_820 = arith.constant 25 : i32
    %get3A_821 = arith.index_cast %get3A_820 : i32 to index
    %get3A_822 = arith.constant 0 : index
    %get3A_823 = tpu.vector_load %arg7[%get3A_821, %get3A_822] {strides = array<i32>} : memref<64x16xf32, #tpu.memory_space<vmem>>, vector<16xf32>,
    %add3A_824 = arith.addf %add3A_818, %get3A_823 : vector<16xf32>
    %add3A_825 = arith.addf %add3A_787, %get3A_823 : vector<16xf32>
    %get3A_826 = arith.constant 38 : i32
    %get3A_827 = arith.index_cast %get3A_826 : i32 to index
    %get3A_828 = arith.constant 0 : index
    %get3A_829 = tpu.vector_load %arg7[%get3A_827, %get3A_828] {strides = array<i32>} : memref<64x16xf32, #tpu.memory_space<vmem>>, vector<16xf32>,
    %add3A_830 = arith.addf %add3A_824, %get3A_829 : vector<16xf32>
    %add3A_831 = arith.addf %add3A_793, %get3A_829 : vector<16xf32>
    %get3A_832 = arith.constant 51 : i32
    %get3A_833 = arith.index_cast %get3A_832 : i32 to index
    %get3A_834 = arith.constant 0 : index
    %get3A_835 = tpu.vector_load %arg7[%get3A_833, %get3A_834] {strides = array<i32>} : memref<64x16xf32, #tpu.memory_space<vmem>>, vector<16xf32>,
    %add3A_836 = arith.addf %add3A_830, %get3A_835 : vector<16xf32>
    %add3A_837 = arith.addf %add3A_799, %get3A_835 : vector<16xf32>
    %reduce_sum3A_838 = arith.constant true
    %reduce_sum3A_839 = vector.broadcast %reduce_sum3A_838 : i1 to vector<16xi1>
    %reduce_sum3A_840 = tpu.scan <sum>, %add3A_836 masked %reduce_sum3A_839 : vector<16xf32>, vector<16xi1> -> vector<16xf32>
    %reduce_sum3A_841 = vector.extract %reduce_sum3A_840[15] : f32 from vector<16xf32>
    %eq3A_842 = arith.constant 12 : i32
    %eq3A_843 = vector.broadcast %eq3A_842 : i32 to vector<16xi32>
    %eq3A_844 = arith.cmpi eq, %iota3A, %eq3A_843 : vector<16xi32>
    %convert_element_type3A_845 = arith.extui %eq3A_844 : vector<16xi1> to vector<16xi32>
    %convert_element_type3A_846 = arith.sitofp %convert_element_type3A_845 : vector<16xi32> to vector<16xf32>
    %mul3A_847 = vector.broadcast %reduce_sum3A_841 : f32 to vector<16xf32>
    %mul3A_848 = arith.mulf %mul3A_847, %convert_element_type3A_846 : vector<16xf32>
    %add3A_849 = arith.addf %add3A_811, %mul3A_848 : vector<16xf32>
    %mul3A_850 = arith.constant 9.53674316E-7 : f32
    %mul3A_851 = vector.broadcast %mul3A_850 : f32 to vector<16xf32>
    %mul3A_852 = arith.mulf %add3A_849, %mul3A_851 : vector<16xf32>
    %broadcast_in_dim3A_853 = arith.constant 0.000000e+00 : f32
    %broadcast_in_dim3A_854 = vector.broadcast %broadcast_in_dim3A_853 : f32 to vector<16xf32>
    %min3A = arith.constant 12 : i32
    %min3A_855 = vector.broadcast %min3A : i32 to vector<16xi32>
    %min3A_856 = arith.minsi %iota3A, %min3A_855 : vector<16xi32>
    %lt3A = arith.constant 13 : i32
    %lt3A_857 = vector.broadcast %lt3A : i32 to vector<16xi32>
    %lt3A_858 = arith.cmpi slt, %iota3A, %lt3A_857 : vector<16xi32>
    %convert_element_type3A_859 = arith.extui %lt3A_858 : vector<16xi1> to vector<16xi32>
    %convert_element_type3A_860 = arith.sitofp %convert_element_type3A_859 : vector<16xi32> to vector<16xf32>
    %mul3A_861 = arith.constant 0 : i32
    %mul3A_862 = vector.broadcast %mul3A_861 : i32 to vector<16xi32>
    %mul3A_863 = arith.muli %iota3A, %mul3A_862 : vector<16xi32>
    %add3A_864 = arith.constant 0 : i32
    %add3A_865 = vector.broadcast %add3A_864 : i32 to vector<16xi32>
    %add3A_866 = arith.addi %mul3A_863, %add3A_865 : vector<16xi32>
    %gather3A = tpu.vector_load_idx %arg8[%add3A_866, %min3A_856] : memref<8x13xf32, #tpu.memory_space<vmem>>[vector<16xi32>, vector<16xi32>], vector<16xf32>,
    %mul3A_867 = arith.mulf %mul3A_852, %gather3A : vector<16xf32>
    %mul3A_868 = arith.mulf %mul3A_867, %convert_element_type3A_860 : vector<16xf32>
    %reduce_sum3A_869 = arith.constant true
    %reduce_sum3A_870 = vector.broadcast %reduce_sum3A_869 : i1 to vector<16xi1>
    %reduce_sum3A_871 = tpu.scan <sum>, %mul3A_868 masked %reduce_sum3A_870 : vector<16xf32>, vector<16xi1> -> vector<16xf32>
    %reduce_sum3A_872 = vector.extract %reduce_sum3A_871[15] : f32 from vector<16xf32>
    %eq3A_873 = arith.constant 0 : i32
    %eq3A_874 = vector.broadcast %eq3A_873 : i32 to vector<16xi32>
    %eq3A_875 = arith.cmpi eq, %iota3A, %eq3A_874 : vector<16xi32>
    %convert_element_type3A_876 = arith.extui %eq3A_875 : vector<16xi1> to vector<16xi32>
    %convert_element_type3A_877 = arith.sitofp %convert_element_type3A_876 : vector<16xi32> to vector<16xf32>
    %mul3A_878 = vector.broadcast %reduce_sum3A_872 : f32 to vector<16xf32>
    %mul3A_879 = arith.mulf %mul3A_878, %convert_element_type3A_877 : vector<16xf32>
    %add3A_880 = arith.addf %broadcast_in_dim3A_854, %mul3A_879 : vector<16xf32>
    %mul3A_881 = arith.constant 0 : i32
    %mul3A_882 = vector.broadcast %mul3A_881 : i32 to vector<16xi32>
    %mul3A_883 = arith.muli %iota3A, %mul3A_882 : vector<16xi32>
    %add3A_884 = arith.constant 1 : i32
    %add3A_885 = vector.broadcast %add3A_884 : i32 to vector<16xi32>
    %add3A_886 = arith.addi %mul3A_883, %add3A_885 : vector<16xi32>
    %gather3A_887 = tpu.vector_load_idx %arg8[%add3A_886, %min3A_856] : memref<8x13xf32, #tpu.memory_space<vmem>>[vector<16xi32>, vector<16xi32>], vector<16xf32>,
    %mul3A_888 = arith.mulf %mul3A_852, %gather3A_887 : vector<16xf32>
    %mul3A_889 = arith.mulf %mul3A_888, %convert_element_type3A_860 : vector<16xf32>
    %reduce_sum3A_890 = arith.constant true
    %reduce_sum3A_891 = vector.broadcast %reduce_sum3A_890 : i1 to vector<16xi1>
    %reduce_sum3A_892 = tpu.scan <sum>, %mul3A_889 masked %reduce_sum3A_891 : vector<16xf32>, vector<16xi1> -> vector<16xf32>
    %reduce_sum3A_893 = vector.extract %reduce_sum3A_892[15] : f32 from vector<16xf32>
    %eq3A_894 = arith.constant 1 : i32
    %eq3A_895 = vector.broadcast %eq3A_894 : i32 to vector<16xi32>
    %eq3A_896 = arith.cmpi eq, %iota3A, %eq3A_895 : vector<16xi32>
    %convert_element_type3A_897 = arith.extui %eq3A_896 : vector<16xi1> to vector<16xi32>
    %convert_element_type3A_898 = arith.sitofp %convert_element_type3A_897 : vector<16xi32> to vector<16xf32>
    %mul3A_899 = vector.broadcast %reduce_sum3A_893 : f32 to vector<16xf32>
    %mul3A_900 = arith.mulf %mul3A_899, %convert_element_type3A_898 : vector<16xf32>
    %add3A_901 = arith.addf %add3A_880, %mul3A_900 : vector<16xf32>
    %mul3A_902 = arith.constant 0 : i32
    %mul3A_903 = vector.broadcast %mul3A_902 : i32 to vector<16xi32>
    %mul3A_904 = arith.muli %iota3A, %mul3A_903 : vector<16xi32>
    %add3A_905 = arith.constant 2 : i32
    %add3A_906 = vector.broadcast %add3A_905 : i32 to vector<16xi32>
    %add3A_907 = arith.addi %mul3A_904, %add3A_906 : vector<16xi32>
    %gather3A_908 = tpu.vector_load_idx %arg8[%add3A_907, %min3A_856] : memref<8x13xf32, #tpu.memory_space<vmem>>[vector<16xi32>, vector<16xi32>], vector<16xf32>,
    %mul3A_909 = arith.mulf %mul3A_852, %gather3A_908 : vector<16xf32>
    %mul3A_910 = arith.mulf %mul3A_909, %convert_element_type3A_860 : vector<16xf32>
    %reduce_sum3A_911 = arith.constant true
    %reduce_sum3A_912 = vector.broadcast %reduce_sum3A_911 : i1 to vector<16xi1>
    %reduce_sum3A_913 = tpu.scan <sum>, %mul3A_910 masked %reduce_sum3A_912 : vector<16xf32>, vector<16xi1> -> vector<16xf32>
    %reduce_sum3A_914 = vector.extract %reduce_sum3A_913[15] : f32 from vector<16xf32>
    %eq3A_915 = arith.constant 2 : i32
    %eq3A_916 = vector.broadcast %eq3A_915 : i32 to vector<16xi32>
    %eq3A_917 = arith.cmpi eq, %iota3A, %eq3A_916 : vector<16xi32>
    %convert_element_type3A_918 = arith.extui %eq3A_917 : vector<16xi1> to vector<16xi32>
    %convert_element_type3A_919 = arith.sitofp %convert_element_type3A_918 : vector<16xi32> to vector<16xf32>
    %mul3A_920 = vector.broadcast %reduce_sum3A_914 : f32 to vector<16xf32>
    %mul3A_921 = arith.mulf %mul3A_920, %convert_element_type3A_919 : vector<16xf32>
    %add3A_922 = arith.addf %add3A_901, %mul3A_921 : vector<16xf32>
    %mul3A_923 = arith.constant 0 : i32
    %mul3A_924 = vector.broadcast %mul3A_923 : i32 to vector<16xi32>
    %mul3A_925 = arith.muli %iota3A, %mul3A_924 : vector<16xi32>
    %add3A_926 = arith.constant 3 : i32
    %add3A_927 = vector.broadcast %add3A_926 : i32 to vector<16xi32>
    %add3A_928 = arith.addi %mul3A_925, %add3A_927 : vector<16xi32>
    %gather3A_929 = tpu.vector_load_idx %arg8[%add3A_928, %min3A_856] : memref<8x13xf32, #tpu.memory_space<vmem>>[vector<16xi32>, vector<16xi32>], vector<16xf32>,
    %mul3A_930 = arith.mulf %mul3A_852, %gather3A_929 : vector<16xf32>
    %mul3A_931 = arith.mulf %mul3A_930, %convert_element_type3A_860 : vector<16xf32>
    %reduce_sum3A_932 = arith.constant true
    %reduce_sum3A_933 = vector.broadcast %reduce_sum3A_932 : i1 to vector<16xi1>
    %reduce_sum3A_934 = tpu.scan <sum>, %mul3A_931 masked %reduce_sum3A_933 : vector<16xf32>, vector<16xi1> -> vector<16xf32>
    %reduce_sum3A_935 = vector.extract %reduce_sum3A_934[15] : f32 from vector<16xf32>
    %eq3A_936 = arith.constant 3 : i32
    %eq3A_937 = vector.broadcast %eq3A_936 : i32 to vector<16xi32>
    %eq3A_938 = arith.cmpi eq, %iota3A, %eq3A_937 : vector<16xi32>
    %convert_element_type3A_939 = arith.extui %eq3A_938 : vector<16xi1> to vector<16xi32>
    %convert_element_type3A_940 = arith.sitofp %convert_element_type3A_939 : vector<16xi32> to vector<16xf32>
    %mul3A_941 = vector.broadcast %reduce_sum3A_935 : f32 to vector<16xf32>
    %mul3A_942 = arith.mulf %mul3A_941, %convert_element_type3A_940 : vector<16xf32>
    %add3A_943 = arith.addf %add3A_922, %mul3A_942 : vector<16xf32>
    %mul3A_944 = arith.constant 0 : i32
    %mul3A_945 = vector.broadcast %mul3A_944 : i32 to vector<16xi32>
    %mul3A_946 = arith.muli %iota3A, %mul3A_945 : vector<16xi32>
    %add3A_947 = arith.constant 4 : i32
    %add3A_948 = vector.broadcast %add3A_947 : i32 to vector<16xi32>
    %add3A_949 = arith.addi %mul3A_946, %add3A_948 : vector<16xi32>
    %gather3A_950 = tpu.vector_load_idx %arg8[%add3A_949, %min3A_856] : memref<8x13xf32, #tpu.memory_space<vmem>>[vector<16xi32>, vector<16xi32>], vector<16xf32>,
    %mul3A_951 = arith.mulf %mul3A_852, %gather3A_950 : vector<16xf32>
    %mul3A_952 = arith.mulf %mul3A_951, %convert_element_type3A_860 : vector<16xf32>
    %reduce_sum3A_953 = arith.constant true
    %reduce_sum3A_954 = vector.broadcast %reduce_sum3A_953 : i1 to vector<16xi1>
    %reduce_sum3A_955 = tpu.scan <sum>, %mul3A_952 masked %reduce_sum3A_954 : vector<16xf32>, vector<16xi1> -> vector<16xf32>
    %reduce_sum3A_956 = vector.extract %reduce_sum3A_955[15] : f32 from vector<16xf32>
    %eq3A_957 = arith.constant 4 : i32
    %eq3A_958 = vector.broadcast %eq3A_957 : i32 to vector<16xi32>
    %eq3A_959 = arith.cmpi eq, %iota3A, %eq3A_958 : vector<16xi32>
    %convert_element_type3A_960 = arith.extui %eq3A_959 : vector<16xi1> to vector<16xi32>
    %convert_element_type3A_961 = arith.sitofp %convert_element_type3A_960 : vector<16xi32> to vector<16xf32>
    %mul3A_962 = vector.broadcast %reduce_sum3A_956 : f32 to vector<16xf32>
    %mul3A_963 = arith.mulf %mul3A_962, %convert_element_type3A_961 : vector<16xf32>
    %add3A_964 = arith.addf %add3A_943, %mul3A_963 : vector<16xf32>
    %mul3A_965 = arith.constant 0 : i32
    %mul3A_966 = vector.broadcast %mul3A_965 : i32 to vector<16xi32>
    %mul3A_967 = arith.muli %iota3A, %mul3A_966 : vector<16xi32>
    %add3A_968 = arith.constant 5 : i32
    %add3A_969 = vector.broadcast %add3A_968 : i32 to vector<16xi32>
    %add3A_970 = arith.addi %mul3A_967, %add3A_969 : vector<16xi32>
    %gather3A_971 = tpu.vector_load_idx %arg8[%add3A_970, %min3A_856] : memref<8x13xf32, #tpu.memory_space<vmem>>[vector<16xi32>, vector<16xi32>], vector<16xf32>,
    %mul3A_972 = arith.mulf %mul3A_852, %gather3A_971 : vector<16xf32>
    %mul3A_973 = arith.mulf %mul3A_972, %convert_element_type3A_860 : vector<16xf32>
    %reduce_sum3A_974 = arith.constant true
    %reduce_sum3A_975 = vector.broadcast %reduce_sum3A_974 : i1 to vector<16xi1>
    %reduce_sum3A_976 = tpu.scan <sum>, %mul3A_973 masked %reduce_sum3A_975 : vector<16xf32>, vector<16xi1> -> vector<16xf32>
    %reduce_sum3A_977 = vector.extract %reduce_sum3A_976[15] : f32 from vector<16xf32>
    %eq3A_978 = arith.constant 5 : i32
    %eq3A_979 = vector.broadcast %eq3A_978 : i32 to vector<16xi32>
    %eq3A_980 = arith.cmpi eq, %iota3A, %eq3A_979 : vector<16xi32>
    %convert_element_type3A_981 = arith.extui %eq3A_980 : vector<16xi1> to vector<16xi32>
    %convert_element_type3A_982 = arith.sitofp %convert_element_type3A_981 : vector<16xi32> to vector<16xf32>
    %mul3A_983 = vector.broadcast %reduce_sum3A_977 : f32 to vector<16xf32>
    %mul3A_984 = arith.mulf %mul3A_983, %convert_element_type3A_982 : vector<16xf32>
    %add3A_985 = arith.addf %add3A_964, %mul3A_984 : vector<16xf32>
    %mul3A_986 = arith.constant 0 : i32
    %mul3A_987 = vector.broadcast %mul3A_986 : i32 to vector<16xi32>
    %mul3A_988 = arith.muli %iota3A, %mul3A_987 : vector<16xi32>
    %add3A_989 = arith.constant 6 : i32
    %add3A_990 = vector.broadcast %add3A_989 : i32 to vector<16xi32>
    %add3A_991 = arith.addi %mul3A_988, %add3A_990 : vector<16xi32>
    %gather3A_992 = tpu.vector_load_idx %arg8[%add3A_991, %min3A_856] : memref<8x13xf32, #tpu.memory_space<vmem>>[vector<16xi32>, vector<16xi32>], vector<16xf32>,
    %mul3A_993 = arith.mulf %mul3A_852, %gather3A_992 : vector<16xf32>
    %mul3A_994 = arith.mulf %mul3A_993, %convert_element_type3A_860 : vector<16xf32>
    %reduce_sum3A_995 = arith.constant true
    %reduce_sum3A_996 = vector.broadcast %reduce_sum3A_995 : i1 to vector<16xi1>
    %reduce_sum3A_997 = tpu.scan <sum>, %mul3A_994 masked %reduce_sum3A_996 : vector<16xf32>, vector<16xi1> -> vector<16xf32>
    %reduce_sum3A_998 = vector.extract %reduce_sum3A_997[15] : f32 from vector<16xf32>
    %eq3A_999 = arith.constant 6 : i32
    %eq3A_1000 = vector.broadcast %eq3A_999 : i32 to vector<16xi32>
    %eq3A_1001 = arith.cmpi eq, %iota3A, %eq3A_1000 : vector<16xi32>
    %convert_element_type3A_1002 = arith.extui %eq3A_1001 : vector<16xi1> to vector<16xi32>
    %convert_element_type3A_1003 = arith.sitofp %convert_element_type3A_1002 : vector<16xi32> to vector<16xf32>
    %mul3A_1004 = vector.broadcast %reduce_sum3A_998 : f32 to vector<16xf32>
    %mul3A_1005 = arith.mulf %mul3A_1004, %convert_element_type3A_1003 : vector<16xf32>
    %add3A_1006 = arith.addf %add3A_985, %mul3A_1005 : vector<16xf32>
    %mul3A_1007 = arith.constant 0 : i32
    %mul3A_1008 = vector.broadcast %mul3A_1007 : i32 to vector<16xi32>
    %mul3A_1009 = arith.muli %iota3A, %mul3A_1008 : vector<16xi32>
    %add3A_1010 = arith.constant 7 : i32
    %add3A_1011 = vector.broadcast %add3A_1010 : i32 to vector<16xi32>
    %add3A_1012 = arith.addi %mul3A_1009, %add3A_1011 : vector<16xi32>
    %gather3A_1013 = tpu.vector_load_idx %arg8[%add3A_1012, %min3A_856] : memref<8x13xf32, #tpu.memory_space<vmem>>[vector<16xi32>, vector<16xi32>], vector<16xf32>,
    %mul3A_1014 = arith.mulf %mul3A_852, %gather3A_1013 : vector<16xf32>
    %mul3A_1015 = arith.mulf %mul3A_1014, %convert_element_type3A_860 : vector<16xf32>
    %reduce_sum3A_1016 = arith.constant true
    %reduce_sum3A_1017 = vector.broadcast %reduce_sum3A_1016 : i1 to vector<16xi1>
    %reduce_sum3A_1018 = tpu.scan <sum>, %mul3A_1015 masked %reduce_sum3A_1017 : vector<16xf32>, vector<16xi1> -> vector<16xf32>
    %reduce_sum3A_1019 = vector.extract %reduce_sum3A_1018[15] : f32 from vector<16xf32>
    %eq3A_1020 = arith.constant 7 : i32
    %eq3A_1021 = vector.broadcast %eq3A_1020 : i32 to vector<16xi32>
    %eq3A_1022 = arith.cmpi eq, %iota3A, %eq3A_1021 : vector<16xi32>
    %convert_element_type3A_1023 = arith.extui %eq3A_1022 : vector<16xi1> to vector<16xi32>
    %convert_element_type3A_1024 = arith.sitofp %convert_element_type3A_1023 : vector<16xi32> to vector<16xf32>
    %mul3A_1025 = vector.broadcast %reduce_sum3A_1019 : f32 to vector<16xf32>
    %mul3A_1026 = arith.mulf %mul3A_1025, %convert_element_type3A_1024 : vector<16xf32>
    %add3A_1027 = arith.addf %add3A_1006, %mul3A_1026 : vector<16xf32>
    %ge3A = arith.constant 8 : i32
    %ge3A_1028 = vector.broadcast %ge3A : i32 to vector<16xi32>
    %ge3A_1029 = arith.cmpi sge, %iota3A, %ge3A_1028 : vector<16xi32>
    %lt3A_1030 = arith.constant 12 : i32
    %lt3A_1031 = vector.broadcast %lt3A_1030 : i32 to vector<16xi32>
    %lt3A_1032 = arith.cmpi slt, %iota3A, %lt3A_1031 : vector<16xi32>
    %and3A = arith.andi %ge3A_1029, %lt3A_1032 : vector<16xi1>
    %convert_element_type3A_1033 = arith.extui %and3A : vector<16xi1> to vector<16xi32>
    %convert_element_type3A_1034 = arith.sitofp %convert_element_type3A_1033 : vector<16xi32> to vector<16xf32>
    %sub3A = arith.constant 8 : i32
    %sub3A_1035 = vector.broadcast %sub3A : i32 to vector<16xi32>
    %sub3A_1036 = arith.subi %iota3A, %sub3A_1035 : vector<16xi32>
    %jit3A = arith.constant 0 : i32
    %jit3A_1037 = arith.constant 3 : i32
    %max3A = vector.broadcast %jit3A : i32 to vector<16xi32>
    %max3A_1038 = arith.maxsi %max3A, %sub3A_1036 : vector<16xi32>
    %min3A_1039 = vector.broadcast %jit3A_1037 : i32 to vector<16xi32>
    %min3A_1040 = arith.minsi %min3A_1039, %max3A_1038 : vector<16xi32>
    %reduce_sum3A_1041 = arith.constant true
    %reduce_sum3A_1042 = vector.broadcast %reduce_sum3A_1041 : i1 to vector<16xi1>
    %reduce_sum3A_1043 = tpu.scan <sum>, %add3A_819 masked %reduce_sum3A_1042 : vector<16xf32>, vector<16xi1> -> vector<16xf32>
    %reduce_sum3A_1044 = vector.extract %reduce_sum3A_1043[15] : f32 from vector<16xf32>
    %mul3A_1045 = arith.constant 9.53674316E-7 : f32
    %mul3A_1046 = arith.mulf %reduce_sum3A_1044, %mul3A_1045 : f32
    %mul3A_1047 = arith.constant 0 : i32
    %mul3A_1048 = vector.broadcast %mul3A_1047 : i32 to vector<16xi32>
    %mul3A_1049 = arith.muli %iota3A, %mul3A_1048 : vector<16xi32>
    %add3A_1050 = arith.constant 0 : i32
    %add3A_1051 = vector.broadcast %add3A_1050 : i32 to vector<16xi32>
    %add3A_1052 = arith.addi %mul3A_1049, %add3A_1051 : vector<16xi32>
    %gather3A_1053 = tpu.vector_load_idx %arg9[%add3A_1052, %min3A_1040] : memref<4x4xf32, #tpu.memory_space<vmem>>[vector<16xi32>, vector<16xi32>], vector<16xf32>,
    %mul3A_1054 = vector.broadcast %mul3A_1046 : f32 to vector<16xf32>
    %mul3A_1055 = arith.mulf %mul3A_1054, %gather3A_1053 : vector<16xf32>
    %mul3A_1056 = arith.mulf %mul3A_1055, %convert_element_type3A_1034 : vector<16xf32>
    %add3A_1057 = arith.addf %add3A_1027, %mul3A_1056 : vector<16xf32>
    %reduce_sum3A_1058 = arith.constant true
    %reduce_sum3A_1059 = vector.broadcast %reduce_sum3A_1058 : i1 to vector<16xi1>
    %reduce_sum3A_1060 = tpu.scan <sum>, %add3A_825 masked %reduce_sum3A_1059 : vector<16xf32>, vector<16xi1> -> vector<16xf32>
    %reduce_sum3A_1061 = vector.extract %reduce_sum3A_1060[15] : f32 from vector<16xf32>
    %mul3A_1062 = arith.constant 9.53674316E-7 : f32
    %mul3A_1063 = arith.mulf %reduce_sum3A_1061, %mul3A_1062 : f32
    %mul3A_1064 = arith.constant 0 : i32
    %mul3A_1065 = vector.broadcast %mul3A_1064 : i32 to vector<16xi32>
    %mul3A_1066 = arith.muli %iota3A, %mul3A_1065 : vector<16xi32>
    %add3A_1067 = arith.constant 1 : i32
    %add3A_1068 = vector.broadcast %add3A_1067 : i32 to vector<16xi32>
    %add3A_1069 = arith.addi %mul3A_1066, %add3A_1068 : vector<16xi32>
    %gather3A_1070 = tpu.vector_load_idx %arg9[%add3A_1069, %min3A_1040] : memref<4x4xf32, #tpu.memory_space<vmem>>[vector<16xi32>, vector<16xi32>], vector<16xf32>,
    %mul3A_1071 = vector.broadcast %mul3A_1063 : f32 to vector<16xf32>
    %mul3A_1072 = arith.mulf %mul3A_1071, %gather3A_1070 : vector<16xf32>
    %mul3A_1073 = arith.mulf %mul3A_1072, %convert_element_type3A_1034 : vector<16xf32>
    %add3A_1074 = arith.addf %add3A_1057, %mul3A_1073 : vector<16xf32>
    %reduce_sum3A_1075 = arith.constant true
    %reduce_sum3A_1076 = vector.broadcast %reduce_sum3A_1075 : i1 to vector<16xi1>
    %reduce_sum3A_1077 = tpu.scan <sum>, %add3A_831 masked %reduce_sum3A_1076 : vector<16xf32>, vector<16xi1> -> vector<16xf32>
    %reduce_sum3A_1078 = vector.extract %reduce_sum3A_1077[15] : f32 from vector<16xf32>
    %mul3A_1079 = arith.constant 9.53674316E-7 : f32
    %mul3A_1080 = arith.mulf %reduce_sum3A_1078, %mul3A_1079 : f32
    %mul3A_1081 = arith.constant 0 : i32
    %mul3A_1082 = vector.broadcast %mul3A_1081 : i32 to vector<16xi32>
    %mul3A_1083 = arith.muli %iota3A, %mul3A_1082 : vector<16xi32>
    %add3A_1084 = arith.constant 2 : i32
    %add3A_1085 = vector.broadcast %add3A_1084 : i32 to vector<16xi32>
    %add3A_1086 = arith.addi %mul3A_1083, %add3A_1085 : vector<16xi32>
    %gather3A_1087 = tpu.vector_load_idx %arg9[%add3A_1086, %min3A_1040] : memref<4x4xf32, #tpu.memory_space<vmem>>[vector<16xi32>, vector<16xi32>], vector<16xf32>,
    %mul3A_1088 = vector.broadcast %mul3A_1080 : f32 to vector<16xf32>
    %mul3A_1089 = arith.mulf %mul3A_1088, %gather3A_1087 : vector<16xf32>
    %mul3A_1090 = arith.mulf %mul3A_1089, %convert_element_type3A_1034 : vector<16xf32>
    %add3A_1091 = arith.addf %add3A_1074, %mul3A_1090 : vector<16xf32>
    %reduce_sum3A_1092 = arith.constant true
    %reduce_sum3A_1093 = vector.broadcast %reduce_sum3A_1092 : i1 to vector<16xi1>
    %reduce_sum3A_1094 = tpu.scan <sum>, %add3A_837 masked %reduce_sum3A_1093 : vector<16xf32>, vector<16xi1> -> vector<16xf32>
    %reduce_sum3A_1095 = vector.extract %reduce_sum3A_1094[15] : f32 from vector<16xf32>
    %mul3A_1096 = arith.constant 9.53674316E-7 : f32
    %mul3A_1097 = arith.mulf %reduce_sum3A_1095, %mul3A_1096 : f32
    %mul3A_1098 = arith.constant 0 : i32
    %mul3A_1099 = vector.broadcast %mul3A_1098 : i32 to vector<16xi32>
    %mul3A_1100 = arith.muli %iota3A, %mul3A_1099 : vector<16xi32>
    %add3A_1101 = arith.constant 3 : i32
    %add3A_1102 = vector.broadcast %add3A_1101 : i32 to vector<16xi32>
    %add3A_1103 = arith.addi %mul3A_1100, %add3A_1102 : vector<16xi32>
    %gather3A_1104 = tpu.vector_load_idx %arg9[%add3A_1103, %min3A_1040] : memref<4x4xf32, #tpu.memory_space<vmem>>[vector<16xi32>, vector<16xi32>], vector<16xf32>,
    %mul3A_1105 = vector.broadcast %mul3A_1097 : f32 to vector<16xf32>
    %mul3A_1106 = arith.mulf %mul3A_1105, %gather3A_1104 : vector<16xf32>
    %mul3A_1107 = arith.mulf %mul3A_1106, %convert_element_type3A_1034 : vector<16xf32>
    %add3A_1108 = arith.addf %add3A_1091, %mul3A_1107 : vector<16xf32>
    %swap3A_1109 = arith.constant 0 : index
    %swap3A_1110 = tpu.vector_load %arg10[%swap3A_1109] {strides = array<i32>} : memref<16xf32, #tpu.memory_space<vmem>>, vector<16xf32>,
    tpu.vector_store %arg10[%swap3A_1109], %add3A_1108 {strides = array<i32>} : memref<16xf32, #tpu.memory_space<vmem>>, vector<16xf32>,
    "tpu.region"() ({
      %run_scoped3A = tpu.sem_alloc : memref<!tpu.dma_semaphore, #tpu.memory_space<semaphore_mem>>
      %dma_start3A_1111 = arith.constant 0 : i32
      %dma_start3A_1112 = tpu.memref_slice %arg5[%add3A, %dma_start3A_1111] : memref<32x16xf32, #tpu.memory_space<hbm>> -> memref<1x16xf32, #tpu.memory_space<hbm>>
      %dma_start3A_1113 = tpu.memref_squeeze %dma_start3A_1112 : memref<1x16xf32, #tpu.memory_space<hbm>> -> memref<16xf32, #tpu.memory_space<hbm>>
      %dma_start3A_1114 = arith.constant 0 : i32
      %dma_start3A_1115 = tpu.memref_slice %arg5[%add3A, %dma_start3A_1114] : memref<32x16xf32, #tpu.memory_space<hbm>> -> memref<1x16xf32, #tpu.memory_space<hbm>>
      %dma_start3A_1116 = tpu.memref_squeeze %dma_start3A_1115 : memref<1x16xf32, #tpu.memory_space<hbm>> -> memref<16xf32, #tpu.memory_space<hbm>>
      tpu.enqueue_dma source(%arg10 : memref<16xf32, #tpu.memory_space<vmem>>) target(%dma_start3A_1116 : memref<16xf32, #tpu.memory_space<hbm>>) target_semaphore(%run_scoped3A : memref<!tpu.dma_semaphore, #tpu.memory_space<semaphore_mem>>)
      %dma_wait3A_1117 = arith.constant 0 : i32
      %dma_wait3A_1118 = tpu.memref_slice %arg5[%add3A, %dma_wait3A_1117] : memref<32x16xf32, #tpu.memory_space<hbm>> -> memref<1x16xf32, #tpu.memory_space<hbm>>
      %dma_wait3A_1119 = tpu.memref_squeeze %dma_wait3A_1118 : memref<1x16xf32, #tpu.memory_space<hbm>> -> memref<16xf32, #tpu.memory_space<hbm>>
      %dma_wait3A_1120 = arith.constant 0 : i32
      %dma_wait3A_1121 = tpu.memref_slice %arg5[%add3A, %dma_wait3A_1120] : memref<32x16xf32, #tpu.memory_space<hbm>> -> memref<1x16xf32, #tpu.memory_space<hbm>>
      %dma_wait3A_1122 = tpu.memref_squeeze %dma_wait3A_1121 : memref<1x16xf32, #tpu.memory_space<hbm>> -> memref<16xf32, #tpu.memory_space<hbm>>
      tpu.wait_dma2 semaphore(%run_scoped3A : memref<!tpu.dma_semaphore, #tpu.memory_space<semaphore_mem>>) src(%arg10 : memref<16xf32, #tpu.memory_space<vmem>>) dst(%dma_wait3A_1122 : memref<16xf32, #tpu.memory_space<hbm>>)
      tpu.yield
    }) : () -> ()
    return
  }
}

</mosaic_0001>

<sc_bundles>
// kernel: _sc_hist.3.cloned.1.call-start
scs
__scs_entry_jumppad:
0x0: {  	(pc) =	sbr.rel $0x88, $3  }
0x1: {  	(tag) =	ssettag $0x0;
	lr =	simm.s32 $0x1  }
0x2: {  	[smem:$0x3F9E] =	sst lr;
	_ =	strace $0xD0000000  }
0x3: {  	_ = 	snop  }
0x4: {  	_ = 	snop  }
0x5: {  	_ = 	snop  }
0x6: {  	_ = 	snop  }
0x7: {  	_ = 	snop  }
__scs_overlays_trampoline_lowered:
0x8: {  	[smem:$0x3FAD] =	sst s0  }
0x9: {  	[smem:$0x3FAE] =	sst s1  }
0xa: {  	[smem:$0x3FAF] =	sst s2  }
0xb: {  	[smem:$0x3FB0] =	sst s3  }
0xc: {  	[smem:$0x3FB1] =	sst s4  }
0xd: {  	[smem:$0x3FB2] =	sst s5  }
0xe: {  	[smem:$0x3FB3] =	sst s6  }
0xf: {  	[smem:$0x3FB4] =	sst s7  }
0x10: {  	[smem:$0x3FB5] =	sst s8  }
0x11: {  	[smem:$0x3FB6] =	sst s9;
	s0 =	simm.s32 @!p0 $0x0  }
0x12: {  	s1 =	sld [smem:$0x3F9C];
	s0 =	simm.s32 @p0 $0x1  }
0x13: {  	[smem:$0x3FB7] =	sst s0;
	s0 =	simm.s32 @!p1 $0x0  }
0x14: {  	s2 =	sld [smem:$0x3F9B];
	s0 =	simm.s32 @p1 $0x1  }
0x15: {  	[smem:$0x3FB8] =	sst s0;
	s0 =	simm.s32 @!p2 $0x0  }
0x16: {  	s3 =	sld [smem:$0x3FDB];
	s0 =	simm.s32 @p2 $0x1  }
0x17: {  	s4 =	simm.s32 $0x1BF5;
	[smem:$0x3FBA] =	sst s0  }
0x18: {  	s0 =	sld [smem:$0x3F9D];
	_ =	swait.ge [sflag:s4], $0x0  }
0x19: {  	s7 =	sld [smem:$0x3F9E]  }
0x1a: {  	s8 =	sadd.s32 $0xFFFFE003, lr  }
0x1b: {  	s9 =	sadd.s32 $0xFFFFFEF7, lr;
	s5 =	simm.s32 $0xFFFFFFFF;
	p2 =	slt.u32 s8, $0xFFFFF086  }
0x1c: {  	p1 =	slt.u32 s9, $0xF7A;
	s5 =	simm.s32 @!p2 $0x0  }
0x1d: {  	s5 =	simm.s32 @p1 $0x1;
	p0 =	seq.s32 s7, s2  }
0x1e: {  	s7 =	smul.u32 @!p0 $0xF7A, s2;
	p2 =	seq.s32 @!p0 s5, $0x0  }
0x1f: {  	s9 =	smul.u32 $0xF7A, s1;
	s8 =	simm.s32 @!p0 $0x1BF5;
	p2 =	por !p2, p0  }
0x20: {  	[sflag:s8] =	ssyncset.s32 @!p0 $0xFFFFF086;
	s6 =	sadd.s32 @!p0 s3, s7;
	s7 =	simm.s32 @!p0 $0x108  }
0x21: {  	s3 =	sadd.s32 s3, s9;
	s6 =	sadd.s32 @!p0 $0x88, s6;
	s7 =	simm.s32 @p2 $0x1082  }
0x22: {  	[simem:s7], [sflag:s8] =	dma.local @!p0 [hbm:s6], $0xF7A  }
0x23: {  	s9 =	sor.u32 $0xD0000000, s2;
	s6 =	simm.s32 $0x108;
	_ =	swait.ge @!p0 [sflag:s8], $0x0  }
0x24: {  	s3 =	sadd.s32 $0x88, s3;
	s6 =	simm.s32 @!p1 $0x1082;
	[sflag:s4] =	ssyncset.s32 $0xFFFFF086  }
0x25: {  	[simem:s6], [sflag:s4] =	dma.local [hbm:s3], $0xF7A  }
0x26: {  	[smem:$0x3F9E] =	sst s1;
	(tag) =	ssettag s2;
	_ =	strace s9  }
0x27: {  	s1 =	sld [smem:$0x3FAE]  }
0x28: {  	s2 =	sld [smem:$0x3FAF]  }
0x29: {  	s4 =	sld [smem:$0x3FB1]  }
0x2a: {  	p0 =	seq.s32 s5, $0x0;
	s5 =	sld [smem:$0x3FB2]  }
0x2b: {  	s6 =	sld [smem:$0x3FB3]  }
0x2c: {  	s7 =	sld [smem:$0x3FB4]  }
0x2d: {  	s3 =	simm.s32 $0x108;
	s8 =	sld [smem:$0x3FB5]  }
0x2e: {  	s3 =	simm.s32 @!p0 $0x1082;
	s9 =	sld [smem:$0x3FB6]  }
0x2f: {  	lr =	sadd.s32 s0, s3;
	s0 =	sld [smem:$0x3FAD]  }
0x30: {  	s3 =	sld [smem:$0x3FB0]  }
0x31: {  	[smem:$0x3FB9] =	sst s10  }
0x32: {  	s10 =	sld [smem:$0x3FB7];
	_ =	sdelay $0x3  }
0x33: {  	p0 =	seq.s32 s10, $0x1;
	s10 =	sld [smem:$0x3FB9];
	_ =	sdelay $0x3  }
0x34: {  	[smem:$0x3FB9] =	sst s10  }
0x35: {  	s10 =	sld [smem:$0x3FB8];
	_ =	sdelay $0x3  }
0x36: {  	p1 =	seq.s32 s10, $0x1;
	s10 =	sld [smem:$0x3FB9];
	_ =	sdelay $0x3  }
0x37: {  	[smem:$0x3FB9] =	sst s10  }
0x38: {  	s10 =	sld [smem:$0x3FBA]  }
0x39: {  	_ = 	snop;
	(pc) =	sbr.ind lr, $3  }
0x3a: {  	_ = 	snop  }
0x3b: {  	_ = 	snop  }
0x3c: {  	p2 =	seq.s32 s10, $0x1;
	s10 =	sld [smem:$0x3FB9]  }
0x3d: {  	_ =	shalt  }
0x3e: {  	_ =	shalt  }
0x3f: {  	_ =	shalt  }
0x40: {  	_ =	shalt  }
0x41: {  	_ =	shalt  }
0x42: {  	_ =	shalt  }
0x43: {  	_ =	shalt  }
0x44: {  	_ =	shalt  }
0x45: {  	_ =	shalt  }
0x46: {  	_ =	shalt  }
0x47: {  	_ =	shalt  }
0x48: {  	_ =	shalt  }
0x49: {  	_ =	shalt  }
0x4a: {  	_ =	shalt  }
0x4b: {  	_ =	shalt  }
0x4c: {  	_ =	shalt  }
0x4d: {  	_ =	shalt  }
0x4e: {  	_ =	shalt  }
0x4f: {  	_ =	shalt  }
0x50: {  	_ =	shalt  }
0x51: {  	_ =	shalt  }
0x52: {  	_ =	shalt  }
0x53: {  	_ =	shalt  }
0x54: {  	_ =	shalt  }
0x55: {  	_ =	shalt  }
0x56: {  	_ =	shalt  }
0x57: {  	_ =	shalt  }
0x58: {  	_ =	shalt  }
0x59: {  	_ =	shalt  }
0x5a: {  	_ =	shalt  }
0x5b: {  	_ =	shalt  }
0x5c: {  	_ =	shalt  }
0x5d: {  	_ =	shalt  }
0x5e: {  	_ =	shalt  }
0x5f: {  	_ =	shalt  }
0x60: {  	_ =	shalt  }
0x61: {  	_ =	shalt  }
0x62: {  	_ =	shalt  }
0x63: {  	_ =	shalt  }
0x64: {  	_ =	shalt  }
0x65: {  	_ =	shalt  }
0x66: {  	_ =	shalt  }
0x67: {  	_ =	shalt  }
0x68: {  	_ =	shalt  }
0x69: {  	_ =	shalt  }
0x6a: {  	_ =	shalt  }
0x6b: {  	_ =	shalt  }
0x6c: {  	_ =	shalt  }
0x6d: {  	_ =	shalt  }
0x6e: {  	_ =	shalt  }
0x6f: {  	_ =	shalt  }
0x70: {  	_ =	shalt  }
0x71: {  	_ =	shalt  }
0x72: {  	_ =	shalt  }
0x73: {  	_ =	shalt  }
0x74: {  	_ =	shalt  }
0x75: {  	_ =	shalt  }
0x76: {  	_ =	shalt  }
0x77: {  	_ =	shalt  }
0x78: {  	_ =	shalt  }
0x79: {  	_ =	shalt  }
0x7a: {  	_ =	shalt  }
0x7b: {  	_ =	shalt  }
0x7c: {  	_ =	shalt  }
0x7d: {  	_ =	shalt  }
0x7e: {  	_ =	shalt  }
0x7f: {  	_ =	shalt  }
0x80: {  	_ =	shalt  }
0x81: {  	_ =	shalt  }
0x82: {  	_ =	shalt  }
0x83: {  	_ =	shalt  }
0x84: {  	_ =	shalt  }
0x85: {  	_ =	shalt  }
0x86: {  	_ =	shalt  }
0x87: {  	_ =	shalt  }
.Lfunc_end0:
.L_simem_size_0:
called_computation_lowered:
.L_overlay_start_0:
0x88: {  	s2 =	sld [smem:$0x3FD9]  }
0x89: {  	s3 =	sld [smem:$0x3FFE];
	_ =	sdelay $0x1  }
0x8a: {  	s1 =	srdreg.scid  }
0x8b: {  	s0 =	sand.u32 $0x1, s1  }
0x8c: {  	s17 =	sshll.u32 s0, $0xA;
	s2 =	sadd.s32 s3, s2  }
0x8d: {  	s2 =	sadd.s32 s2, s17  }
0x8e: {  	[smem:$0x3FC5] =	sst s2  }
0x8f: {  	_ = 	snop  }
0x90: {  	s2 =	sld [smem:$0x3FC9]  }
0x91: {  	s18 =	sld [smem:$0x3FC8]  }
0x92: {  	s4 =	sld [smem:$0x3FC7];
	(tm) =	ssettm $0x1  }
0x93: {  	s5 =	sld [smem:$0x3FFB];
	_ =	sdelay $0x3  }
0x94: {  	_ =	strace s5  }
0x95: {  	s5 =	sld [smem:$0x3FFC];
	_ =	sdelay $0x3  }
0x96: {  	_ =	strace s5  }
0x97: {  	s5 =	sld [smem:$0x3FFD];
	_ =	sdelay $0x3  }
0x98: {  	_ =	strace s5  }
0x99: {  	_ =	strace $0x8FFFFFFF  }
0x9a: {  	s19 =	sld [smem:$0x3FDB];
	_ =	sdelay $0x1  }
0x9b: {  	s6 =	simm.s32 $_scs_section_size  }
0x9c: {  	s7 =	simm.s32 $_size__tile_overlayer_lowered;
	s8 =	simm.s32 $_tile_overlayer_lowered  }
0x9d: {  	s22 =	simm.s32 $0x1BFF;
	s21 =	sshll.u32 s8, $0x1;
	s5 =	sadd.s32 s6, s19  }
0x9e: {  	s9 =	simm.s32 $0x0;
	s20 =	sshll.u32 s7, $0x1;
	s7 =	sadd.s32 s21, s5  }
0x9f: {  	[timem:s9], [sflag:s22] =	dma.local [hbm:s7], s20  }
0xa0: {  	_ =	swait.ge [sflag:s22], s20  }
0xa1: {  	s6 =	ssub.s32 $0x0, s20;
	[sflag:s22] =	ssyncset.done $0x0  }
0xa2: {  	[sflag:s22] =	ssyncadd.s32 s6;
	_ =	sdelay $0x1  }
0xa3: {  	s23 =	simm.s32 $0x1B8B  }
0xa4: {  	_ =	swait.ge [sflag:s23], $0x1  }
0xa5: {  	[sflag:s23] =	ssyncset.done $0x0  }
0xa6: {  	s25 =	simm.s32 $0x1B8E;
	s24 =	sld [smem:$0x3FFE];
	[sflag:s23] =	ssyncadd.s32 $0xFFFFFFFF  }
0xa7: {  	s26 =	simm.s32 $execute0_lowered;
	[smem:$0x3FD2] =	sst s25  }
0xa8: {  	s7 =	sshll.u32 s26, $0x1;
	_ =	strace $0x80000046;
	[dreg:$0x1] =	wrdreg $0xFFFFFFFF  }
0xa9: {  	s28 =	simm.s32 $_size_execute0_lowered;
	s5 =	sadd.s32 s5, s7;
	[dreg:$0x0] =	wrdreg $0x0  }
0xaa: {  	s7 =	sshll.u32 s28, $0x1;
	[dreg:$0x2] =	wrdreg s5  }
0xab: {  	[dreg:$0x3] =	wrdreg s7  }
0xac: {  	[dreg:$0x4] =	wrdreg $0xC0  }
0xad: {  	_ =	task [dreg:s9], $0x5FFFF  }
0xae: {  	[dreg:$0x1] =	wrdreg $0xFFFFFFFF  }
0xaf: {  	[dreg:$0x0] =	wrdreg $0x60  }
0xb0: {  	[dreg:$0x2] =	wrdreg s2  }
0xb1: {  	[dreg:$0x3] =	wrdreg s18  }
0xb2: {  	[dreg:$0x4] =	wrdreg s4  }
0xb3: {  	[dreg:$0x5] =	wrdreg s24  }
0xb4: {  	[dreg:$0x6] =	wrdreg $0x9  }
0xb5: {  	_ =	task.clear_ibuf [dreg:s9], $0x7FFFF;
	_ =	strace $0x90000046  }
0xb6: {  	s29 =	simm.s32 $0x9;
	_ =	strace $0x80000048  }
0xb7: {  	_ =	swait.ge [sflag:s29], $0x1  }
0xb8: {  	[sflag:s29] =	ssyncadd.s32 $0xFFFFFFFF  }
0xb9: {  	_ =	strace $0x90000048  }
0xba: {  	_ =	sfence  }
0xbb: {  	s30 =	sld [smem:$0x0];
	_ =	sdelay $0x2  }
0xbc: {  	s31 =	sshll.u32 s1, $0xD;
	s1 =	sshrl.u32 s1, $0x2  }
0xbd: {  	s3 =	sand.u32 $0x4000, s31;
	s1 =	sadd.s32 s1, s30  }
0xbe: {  	s0 =	sor.u32 s3, s0;
	s1 =	sshll.u32 s1, $0x11  }
0xbf: {  	s0 =	sor.u32 s1, s0  }
0xc0: {  	s0 =	sadd.s32 $0x8F2B, s0  }
0xc1: {  	[sflag:s0] =	ssyncadd.remote.s32 $0x1  }
0xc2: {  	_ =	sfence.sel $0xFFFF  }
0xc3: {  	[dreg:$0x0] =	wrdreg $0xFFFFFFFF;
	(pc) =	sbr.abs _section_cstart, $3  }
0xc4: {  	[dreg:$0x1] =	wrdreg $0xFFFFFFFF  }
0xc5: {  	_ =	task.clear_ibuf [dreg:s9], $0x2FFFF;
	_ =	strace $0x9FFFFFFF  }
0xc6: {  	(tm) =	ssettm $0x7FFFFFFF  }
0xc7: {  	_ =	shalt  }
tec
execute0_lowered:
.L_overlay_start_1:
0x0: {  	(tag) =	ssettag $0x1  }
0x1: {  	v0 =	vimm.f32 $0.0e+00  }
0x2: {  	vm12 =	vcmask $0x300;
	vm11 =	vcmask $0x704;
	vm10 =	vcmask $0xB08  }
0x3: {  	vm9 =	vcmask $0xF0C;
	vm8 =	vcmask $0x1310;
	vm7 =	vcmask $0x1714  }
0x4: {  	vm6 =	vcmask $0x1B18;
	v10 =	vimm.s32 $0x76543210;
	vm5 =	vcmask $0x1F1C  }
0x5: {  	vm4 =	vcmask $0x2320;
	vm1 =	vcmask $0x2724;
	vm0 =	vcmask $0x2B28  }
0x6: {  	vm2 =	vcmask $0x2F2C;
	vm3 =	vcmask $0x3330;
	vm14 =	vcmask $0x1F00  }
0x7: {  	v12 =	vimm.s32 $0xB0A0908;
	v13 =	vimm.s32 $0x83828180;
	v3 =	vsel vm12, $0x3F800000, v0  }
0x8: {  	vm13 =	vcmask $0xF00;
	v14 =	vimm.s32 $0x87868584;
	[tilespmem:$0x1FE50] =	vst v3;
	v3 =	vsel vm11, $0x3F800000, v0  }
0x9: {  	v15 =	vimm.s32 $0x8B8A8988;
	v16 =	vimm.s32 $0x10C;
	[tilespmem:$0x1FE60] =	vst v3;
	v3 =	vsel vm10, $0x3F800000, v0  }
0xa: {  	v52 =	vimm.s32 $0x18C;
	v53 =	vimm.s32 $0x20C;
	[tilespmem:$0x1FE70] =	vst v3;
	v3 =	vsel vm9, $0x3F800000, v0  }
0xb: {  	v56 =	vimm.s32 $0x28C;
	v58 =	vimm.s32 $0x30C;
	[tilespmem:$0x1FE80] =	vst v3;
	v3 =	vsel vm8, $0x3F800000, v0  }
0xc: {  	v59 =	vimm.s32 $0x38C;
	v60 =	vimm.s32 $0xFFE40000;
	[tilespmem:$0x1FE90] =	vst v3;
	v3 =	vsel vm7, $0x3F800000, v0  }
0xd: {  	v11 =	vunpack.c.l.s4.s8 v10;
	v12 =	vunpack.c.0.s8.s32 v12;
	[tilespmem:$0x1FEA0] =	vst v3;
	v3 =	vsel vm6, $0x3F800000, v0  }
0xe: {  	v13 =	vunpack.c.0.s8.s32 v13;
	v14 =	vunpack.c.0.s8.s32 v14;
	[tilespmem:$0x1FEB0] =	vst v3;
	v3 =	vsel vm5, $0x3F800000, v0  }
0xf: {  	v15 =	vunpack.c.0.s8.s32 v15;
	v11 =	vunpack.c.0.s8.s32 v11;
	[tilespmem:$0x1FEC0] =	vst v3;
	v3 =	vsel vm4, $0x3F800000, v0  }
0x10: {  	v13 =	vnsel vm13, $0x8C, v13;
	vm13 =	vcmask $0x1F10;
	[tilespmem:$0x1FED0] =	vst v3;
	v3 =	vsel vm1, $0x3F800000, v0  }
0x11: {  	v50 =	vsel vm12, $0x100, v16;
	v49 =	vsel vm13, v14, v13;
	[tilespmem:$0x1FEE0] =	vst v3;
	v3 =	vsel vm0, $0x3F800000, v0  }
0x12: {  	vm13 =	vcmask $0x3300;
	v11 =	vand.u32 $0xF, v11;
	[tilespmem:$0x1FEF0] =	vst v3;
	v3 =	vsel vm2, $0x3F800000, v0  }
0x13: {  	v11 =	vnsel vm14, $0xC, v11;
	[tilespmem:$0x1FF00] =	vst v3;
	v3 =	vsel vm3, $0x3F800000, v0;
	vm3 =	vcmask $0x2F20  }
0x14: {  	v13 =	vsel vm12, $0x200, v53;
	[tilespmem:$0x1FF10] =	vst v3;
	v3 =	vsel vm3, v12, v11;
	v12 =	vsel vm11, $0x101, v50  }
0x15: {  	v11 =	vsel vm3, v15, v49;
	[tilespmem:$0x1FF20] =	vst v3;
	v3 =	vsel vm13, $0x3F800000, v0;
	v51 =	vsel vm10, $0x102, v12  }
0x16: {  	v12 =	vsel vm12, $0x180, v52;
	[tilespmem:$0x1FF30] =	vst v3;
	v3 =	vand.u32 $0xFF, v11;
	v11 =	vsel vm9, $0x103, v51  }
0x17: {  	v14 =	vunpack.c.l.s2.s4 v60;
	v12 =	vsel vm11, $0x181, v12;
	v11 =	vsel vm8, $0x104, v11  }
0x18: {  	v13 =	vsel vm11, $0x201, v13;
	v12 =	vsel vm10, $0x182, v12;
	v11 =	vsel vm7, $0x105, v11  }
0x19: {  	v13 =	vsel vm10, $0x202, v13;
	v12 =	vsel vm9, $0x183, v12;
	v11 =	vsel vm6, $0x106, v11  }
0x1a: {  	v13 =	vsel vm9, $0x203, v13;
	v12 =	vsel vm8, $0x184, v12;
	v11 =	vsel vm5, $0x107, v11  }
0x1b: {  	v13 =	vsel vm8, $0x204, v13;
	v12 =	vsel vm7, $0x185, v12;
	v11 =	vsel vm4, $0x108, v11  }
0x1c: {  	v13 =	vsel vm7, $0x205, v13;
	v12 =	vsel vm6, $0x186, v12;
	v11 =	vsel vm1, $0x109, v11  }
0x1d: {  	v13 =	vsel vm6, $0x206, v13;
	v54 =	vsel vm5, $0x187, v12;
	v11 =	vsel vm0, $0x10A, v11  }
0x1e: {  	v55 =	vsel vm5, $0x207, v13;
	[tilespmem:$0x1FF40] =	vst v3;
	v3 =	vsel vm2, $0x10B, v11;
	v11 =	vsel vm4, $0x188, v54  }
0x1f: {  	v61 =	vimm.s32 $0x83;
	v12 =	vsel vm4, $0x208, v55;
	v11 =	vsel vm1, $0x189, v11  }
0x20: {  	v14 =	vunpack.c.l.s4.s8 v14;
	v12 =	vsel vm1, $0x209, v12;
	v11 =	vsel vm0, $0x18A, v11  }
0x21: {  	v13 =	vsel vm12, $0x280, v56;
	v12 =	vsel vm0, $0x20A, v12;
	[tilespmem:$0x1FF50] =	vst v3;
	v3 =	vsel vm2, $0x18B, v11  }
0x22: {  	v13 =	vsel vm11, $0x281, v13;
	[tilespmem:$0x1FF60] =	vst v3;
	v3 =	vsel vm2, $0x20B, v12;
	v12 =	vsel vm12, $0x300, v58  }
0x23: {  	v57 =	vsel vm10, $0x282, v13;
	v13 =	vsel vm12, $0x380, v59;
	v12 =	vsel vm11, $0x301, v12  }
0x24: {  	v13 =	vsel vm11, $0x381, v13;
	v11 =	vsel vm9, $0x283, v57;
	v12 =	vsel vm10, $0x302, v12  }
0x25: {  	s5 =	rddreg [dreg:$0x0];
	v13 =	vsel vm10, $0x382, v13;
	v11 =	vsel vm8, $0x284, v11;
	v12 =	vsel vm9, $0x303, v12  }
0x26: {  	s0 =	rddreg [dreg:$0x1];
	v13 =	vsel vm9, $0x383, v13;
	v11 =	vsel vm7, $0x285, v11;
	v12 =	vsel vm8, $0x304, v12  }
0x27: {  	s1 =	rddreg [dreg:$0x2];
	v13 =	vsel vm8, $0x384, v13;
	v11 =	vsel vm6, $0x286, v11;
	v12 =	vsel vm7, $0x305, v12  }
0x28: {  	s6 =	rddreg [dreg:$0x3];
	v13 =	vsel vm7, $0x385, v13;
	v11 =	vsel vm5, $0x287, v11;
	v12 =	vsel vm6, $0x306, v12  }
0x29: {  	s2 =	rddreg [dreg:$0x4];
	s7 =	srdreg.scid;
	v13 =	vsel vm6, $0x386, v13;
	v11 =	vsel vm4, $0x288, v11;
	v12 =	vsel vm5, $0x307, v12  }
0x2a: {  	s3 =	stileid.u32;
	s4 =	simm.s32 $0x0;
	s11 =	simm.s32 $0x2000;
	v13 =	vsel vm5, $0x387, v13;
	v11 =	vsel vm1, $0x289, v11;
	v12 =	vsel vm4, $0x308, v12  }
0x2b: {  	s12 =	simm.s32 $0x4000;
	s13 =	simm.s32 $0x6000;
	s14 =	simm.s32 $0xA000;
	v13 =	vsel vm4, $0x388, v13;
	v11 =	vsel vm0, $0x28A, v11;
	v12 =	vsel vm1, $0x309, v12  }
0x2c: {  	s15 =	simm.s32 $0xA400;
	s16 =	simm.s32 $0x1;
	[smem:$0x7FF] =	sst s4;
	v13 =	vsel vm1, $0x389, v13;
	[tilespmem:$0x1FF70] =	vst v3;
	v3 =	vsel vm2, $0x28B, v11;
	v12 =	vsel vm0, $0x30A, v12  }
0x2d: {  	s17 =	simm.s32 $0x8000;
	s18 =	simm.s32 $0x2;
	v14 =	vunpack.c.0.s8.s32 v14;
	v13 =	vsel vm0, $0x38A, v13;
	_ =	strace $0x80000047;
	[tilespmem:$0x1FF80] =	vst v3;
	v3 =	vsel vm2, $0x30B, v12  }
0x2e: {  	vm15 =	vcmask $0x2300;
	v62 =	vimm.s32 $0x103;
	s19 =	simm.s32 $0x3;
	s20 =	simm.s32 $0x4;
	s21 =	simm.s32 $0x5;
	[tilespmem:$0x1FF90] =	vst v3;
	v3 =	vsel vm2, $0x38B, v13  }
0x2f: {  	v63 =	vimm.s32 $0x183;
	s22 =	simm.s32 $0xA600;
	s7 =	sand.u32 $0x1, s7;
	s8 =	sshll.u32 s3, $0x1;
	v11 =	vsel vm15, $0x80, v61;
	[tilespmem:$0x1FFA0] =	vst v3;
	v3 =	vand.u32 $0x3, v14  }
0x30: {  	s23 =	simm.s32 $0x6;
	s24 =	simm.s32 $0x0;
	s8 =	sor.u32 s7, s8;
	v11 =	vsel vm1, $0x81, v11;
	v12 =	vsel vm15, $0x100, v62;
	[tilespmem:$0x1FFB0] =	vst v3;
	v3 =	vsel vm3, $0x3F800000, v0  }
0x31: {  	s7 =	ssub.s32 $0x2, s7;
	s9 =	sshll.u32 s8, $0xC;
	s8 =	sshll.u32 s8, $0x4;
	v13 =	vsel vm15, $0x180, v63;
	v12 =	vsel vm1, $0x101, v12;
	[tilespmem:$0x1FFC0] =	vst v3;
	v3 =	vsel vm0, $0x82, v11  }
0x32: {  	s10 =	sshrl.u32 s7, $0x1;
	s5 =	sadd.s32 s5, s9;
	s31 =	sadd.s32 s8, s6;
	v13 =	vsel vm1, $0x181, v13;
	[tilespmem:$0x1FFD0] =	vst v3;
	v3 =	vsel vm0, $0x102, v12  }
0x33: {  	s10 =	ssub.s32 s7, s10;
	s6 =	sadd.s32 $0x400, s5;
	s7 =	sadd.s32 $0x800, s5;
	[tilespmem:$0x1FFE0] =	vst v3;
	v3 =	vsel vm0, $0x182, v13  }
0x34: {  	v1 =	vlaneseq.u32;
	v2 =	vimm.f32 $1.000000000e+00;
	s8 =	sadd.s32 $0xC00, s5;
	s9 =	sadd.s32 $0x400, s31;
	s10 =	smax.u32 s10, $0x1;
	[tilespmem:$0x1FFF0] =	vst v3  }
.LBB2_1:
0x35: {  	[tilespmem:s4], [sflag:$0x1] =	stream.linear.gather [hbm4b:s5+s4], $0x2000, $0x38;
	[tilespmem:$0xA680] =	vst v63  }
0x36: {  	_ = 	snop  }
0x37: {  	[tilespmem:s11], [sflag:$0x2] =	stream.linear.gather [hbm4b:s6+s4], $0x2000, $0x38;
	[tilespmem:$0xA680] =	vst v63  }
0x38: {  	_ = 	snop  }
0x39: {  	[tilespmem:s12], [sflag:$0x3] =	stream.linear.gather [hbm4b:s7+s4], $0x2000, $0x38;
	[tilespmem:$0xA680] =	vst v63  }
0x3a: {  	_ = 	snop  }
0x3b: {  	[tilespmem:s13], [sflag:$0x4] =	stream.linear.gather [hbm4b:s8+s4], $0x2000, $0x38;
	[tilespmem:$0xA680] =	vst v63  }
0x3c: {  	_ = 	snop  }
0x3d: {  	[tilespmem:s14], [sflag:$0x5] =	stream.linear.gather [hbm4b:s0+s4], $0x400, $0x38;
	[tilespmem:$0xA680] =	vst v63  }
0x3e: {  	_ = 	snop  }
0x3f: {  	[tilespmem:s15], [sflag:$0x5] =	stream.linear.gather [hbm4b:s1+s4], $0x200, $0x38;
	[tilespmem:$0xA680] =	vst v63  }
0x40: {  	[tilespmem:$0x8000] =	vst v0  }
0x41: {  	[tilespmem:$0x8080] =	vst v0  }
0x42: {  	[tilespmem:$0x8100] =	vst v0  }
0x43: {  	[tilespmem:$0x8180] =	vst v0  }
0x44: {  	[tilespmem:$0x8200] =	vst v0  }
0x45: {  	[tilespmem:$0x8280] =	vst v0  }
0x46: {  	[tilespmem:$0x8300] =	vst v0  }
0x47: {  	[tilespmem:$0x8380] =	vst v0  }
0x48: {  	[tilespmem:$0x8400] =	vst v0  }
0x49: {  	[tilespmem:$0x8480] =	vst v0  }
0x4a: {  	[tilespmem:$0x8500] =	vst v0  }
0x4b: {  	[tilespmem:$0x8580] =	vst v0  }
0x4c: {  	[tilespmem:$0x8600] =	vst v0  }
0x4d: {  	[tilespmem:$0x8680] =	vst v0  }
0x4e: {  	[tilespmem:$0x8700] =	vst v0  }
0x4f: {  	[tilespmem:$0x8780] =	vst v0  }
0x50: {  	[tilespmem:$0x8800] =	vst v0  }
0x51: {  	[tilespmem:$0x8880] =	vst v0  }
0x52: {  	[tilespmem:$0x8900] =	vst v0  }
0x53: {  	[tilespmem:$0x8980] =	vst v0  }
0x54: {  	[tilespmem:$0x8A00] =	vst v0  }
0x55: {  	[tilespmem:$0x8A80] =	vst v0  }
0x56: {  	[tilespmem:$0x8B00] =	vst v0  }
0x57: {  	[tilespmem:$0x8B80] =	vst v0  }
0x58: {  	[tilespmem:$0x8C00] =	vst v0  }
0x59: {  	[tilespmem:$0x8C80] =	vst v0  }
0x5a: {  	[tilespmem:$0x8D00] =	vst v0  }
0x5b: {  	[tilespmem:$0x8D80] =	vst v0  }
0x5c: {  	[tilespmem:$0x8E00] =	vst v0  }
0x5d: {  	[tilespmem:$0x8E80] =	vst v0  }
0x5e: {  	[tilespmem:$0x8F00] =	vst v0  }
0x5f: {  	[tilespmem:$0x8F80] =	vst v0  }
0x60: {  	[tilespmem:$0x9000] =	vst v0  }
0x61: {  	[tilespmem:$0x9080] =	vst v0  }
0x62: {  	[tilespmem:$0x9100] =	vst v0  }
0x63: {  	[tilespmem:$0x9180] =	vst v0  }
0x64: {  	[tilespmem:$0x9200] =	vst v0  }
0x65: {  	[tilespmem:$0x9280] =	vst v0  }
0x66: {  	[tilespmem:$0x9300] =	vst v0  }
0x67: {  	[tilespmem:$0x9380] =	vst v0  }
0x68: {  	[tilespmem:$0x9400] =	vst v0  }
0x69: {  	[tilespmem:$0x9480] =	vst v0  }
0x6a: {  	[tilespmem:$0x9500] =	vst v0  }
0x6b: {  	[tilespmem:$0x9580] =	vst v0  }
0x6c: {  	[tilespmem:$0x9600] =	vst v0  }
0x6d: {  	[tilespmem:$0x9680] =	vst v0  }
0x6e: {  	[tilespmem:$0x9700] =	vst v0  }
0x6f: {  	[tilespmem:$0x9780] =	vst v0  }
0x70: {  	[tilespmem:$0x9800] =	vst v0  }
0x71: {  	[tilespmem:$0x9880] =	vst v0  }
0x72: {  	[tilespmem:$0x9900] =	vst v0  }
0x73: {  	[tilespmem:$0x9980] =	vst v0  }
0x74: {  	[tilespmem:$0x9A00] =	vst v0  }
0x75: {  	[tilespmem:$0x9A80] =	vst v0  }
0x76: {  	[tilespmem:$0x9B00] =	vst v0  }
0x77: {  	[tilespmem:$0x9B80] =	vst v0  }
0x78: {  	[tilespmem:$0x9C00] =	vst v0  }
0x79: {  	[tilespmem:$0x9C80] =	vst v0  }
0x7a: {  	[tilespmem:$0x9D00] =	vst v0  }
0x7b: {  	[tilespmem:$0x9D80] =	vst v0  }
0x7c: {  	[tilespmem:$0x9E00] =	vst v0  }
0x7d: {  	[tilespmem:$0x9E80] =	vst v0  }
0x7e: {  	[tilespmem:$0x9F00] =	vst v0  }
0x7f: {  	[tilespmem:$0x9F80] =	vst v0  }
0x80: {  	_ =	swait.ge [sflag:s16], $0x2000  }
0x81: {  	[sflag:s16] =	ssyncset.done $0x0  }
0x82: {  	s25 =	simm.s32 $0x80;
	[sflag:s16] =	ssyncadd.s32 $0xFFFFE000  }
0x83: {  	v11 =	vld [tilespmem:s25+$0xFFFFFFA0]  }
0x84: {  	v12 =	vld [tilespmem:s25+$0xFFFFFFB0]  }
0x85: {  	v13 =	vld [tilespmem:s25+$0xFFFFFFC0]  }
0x86: {  	v14 =	vld [tilespmem:s25+$0xFFFFFFD0]  }
0x87: {  	v15 =	vld [tilespmem:s25+$0xFFFFFF80]  }
0x88: {  	v16 =	vld [tilespmem:s25+$0x70]  }
0x89: {  	v18 =	vld [tilespmem:s25+$0x60]  }
0x8a: {  	v19 =	vld [tilespmem:s25+$0x50]  }
0x8b: {  	v20 =	vld [tilespmem:s25+$0x40]  }
0x8c: {  	v21 =	vld [tilespmem:s25+$0x30]  }
0x8d: {  	v30 =	vld [tilespmem:s25+$0xFFFFFFE0];
	v15 =	vshll.u32 v15, $0x7  }
0x8e: {  	v22 =	vld [tilespmem:s25+$0x20];
	v16 =	vshll.u32 v16, $0x7;
	v15 =	vor.u32 v1, v15  }
0x8f: {  	v23 =	vld [tilespmem:s25+$0x10];
	v18 =	vshll.u32 v18, $0x7;
	v16 =	vor.u32 v1, v16  }
0x90: {  	v24 =	vld [tilespmem:s25+$0x0];
	v19 =	vshll.u32 v19, $0x7;
	v18 =	vor.u32 v1, v18  }
0x91: {  	v25 =	vld [tilespmem:s25+$0xFFFFFFF0];
	v20 =	vshll.u32 v20, $0x7;
	v19 =	vor.u32 v1, v19  }
0x92: {  	v61 =	vld [tilespmem:s25+$0xFFFFFF90];
	v62 =	vshll.u32 v30, $0x7;
	v20 =	vor.u32 v1, v20  }
0x93: {  	v60 =	vshll.u32 v22, $0x7;
	v14 =	vshll.u32 v14, $0x7;
	v22 =	vor.u32 v1, v62;
	[tilespmem:v15+s17+$0x0] =	vst.idx.add.f32.msk $0xffff, v2  }
0x94: {  	v21 =	vshll.u32 v21, $0x7;
	v14 =	vor.u32 v1, v14;
	[tilespmem:v16+s17+$0x0] =	vst.idx.add.f32.msk $0xffff, v2  }
0x95: {  	v12 =	vshll.u32 v12, $0x7;
	v15 =	vor.u32 v1, v21;
	[tilespmem:v18+s17+$0x0] =	vst.idx.add.f32.msk $0xffff, v2  }
0x96: {  	v11 =	vshll.u32 v11, $0x7;
	v12 =	vor.u32 v1, v12;
	[tilespmem:v19+s17+$0x0] =	vst.idx.add.f32.msk $0xffff, v2  }
0x97: {  	v58 =	vshll.u32 v23, $0x7;
	v63 =	vor.u32 v1, v11;
	[tilespmem:v20+s17+$0x0] =	vst.idx.add.f32.msk $0xffff, v2  }
0x98: {  	v59 =	vshll.u32 v24, $0x7;
	v21 =	vor.u32 v1, v58;
	[tilespmem:v22+s17+$0x0] =	vst.idx.add.f32.msk $0xffff, v2  }
0x99: {  	v16 =	vor.u32 v1, v59;
	[tilespmem:v14+s17+$0x0] =	vst.idx.add.f32.msk $0xffff, v2  }
0x9a: {  	v18 =	vor.u32 v1, v60;
	[tilespmem:v15+s17+$0x0] =	vst.idx.add.f32.msk $0xffff, v2;
	v15 =	vshll.u32 v25, $0x7  }
0x9b: {  	v11 =	vshll.u32 v13, $0x7;
	v13 =	vshll.u32 v61, $0x7;
	[tilespmem:v12+s17+$0x0] =	vst.idx.add.f32.msk $0xffff, v2;
	v15 =	vor.u32 v1, v15  }
0x9c: {  	v12 =	vor.u32 v1, v13;
	[tilespmem:v63+s17+$0x0] =	vst.idx.add.f32.msk $0xffff, v2  }
0x9d: {  	v11 =	vor.u32 v1, v11;
	[tilespmem:v21+s17+$0x0] =	vst.idx.add.f32.msk $0xffff, v2  }
0x9e: {  	[tilespmem:v16+s17+$0x0] =	vst.idx.add.f32.msk $0xffff, v2  }
0x9f: {  	[tilespmem:v18+s17+$0x0] =	vst.idx.add.f32.msk $0xffff, v2  }
0xa0: {  	s26 =	simm.s32 $0x0;
	[tilespmem:v15+s17+$0x0] =	vst.idx.add.f32.msk $0xffff, v2  }
.LBB2_2:
0xa1: {  	s26 =	sadd.s32 $0x10, s26;
	[tilespmem:v12+s17+$0x0] =	vst.idx.add.f32.msk $0xffff, v2;
	s25 =	sadd.s32 $0x100, s25  }
0xa2: {  	p0 =	slt.u32 s26, $0x1F0;
	[tilespmem:v11+s17+$0x0] =	vst.idx.add.f32.msk $0xffff, v2  }
0xa3: {  	v12 =	vld [tilespmem:s25+$0xFFFFFFA0]  }
0xa4: {  	v11 =	vld [tilespmem:s25+$0xFFFFFFB0]  }
0xa5: {  	v13 =	vld [tilespmem:s25+$0xFFFFFFC0]  }
0xa6: {  	v14 =	vld [tilespmem:s25+$0xFFFFFFD0]  }
0xa7: {  	v15 =	vld [tilespmem:s25+$0xFFFFFF80]  }
0xa8: {  	v16 =	vld [tilespmem:s25+$0x70]  }
0xa9: {  	v18 =	vld [tilespmem:s25+$0x60]  }
0xaa: {  	v19 =	vld [tilespmem:s25+$0x50]  }
0xab: {  	v20 =	vld [tilespmem:s25+$0x40]  }
0xac: {  	v15 =	vshll.u32 v15, $0x7;
	v21 =	vld [tilespmem:s25+$0x30]  }
0xad: {  	v15 =	vor.u32 v1, v15;
	v22 =	vld [tilespmem:s25+$0x20];
	v16 =	vshll.u32 v16, $0x7  }
0xae: {  	v23 =	vld [tilespmem:s25+$0x10];
	v18 =	vshll.u32 v18, $0x7;
	v16 =	vor.u32 v1, v16  }
0xaf: {  	v24 =	vld [tilespmem:s25+$0x0];
	v19 =	vshll.u32 v19, $0x7;
	v18 =	vor.u32 v1, v18  }
0xb0: {  	v25 =	vld [tilespmem:s25+$0xFFFFFFF0];
	v20 =	vshll.u32 v20, $0x7;
	v19 =	vor.u32 v1, v19  }
0xb1: {  	v30 =	vld [tilespmem:s25+$0xFFFFFFE0];
	v21 =	vshll.u32 v21, $0x7  }
0xb2: {  	[tilespmem:v15+s17+$0x0] =	vst.idx.add.f32.msk $0xffff, v2;
	v15 =	vshll.u32 v22, $0x7;
	v21 =	vor.u32 v1, v21  }
0xb3: {  	v20 =	vor.u32 v1, v20;
	v22 =	vshll.u32 v23, $0x7;
	v15 =	vor.u32 v1, v15;
	[tilespmem:v16+s17+$0x0] =	vst.idx.add.f32.msk $0xffff, v2  }
0xb4: {  	v16 =	vshll.u32 v24, $0x7;
	v22 =	vor.u32 v1, v22;
	[tilespmem:v18+s17+$0x0] =	vst.idx.add.f32.msk $0xffff, v2  }
0xb5: {  	v18 =	vshll.u32 v25, $0x7;
	v16 =	vor.u32 v1, v16;
	[tilespmem:v19+s17+$0x0] =	vst.idx.add.f32.msk $0xffff, v2  }
0xb6: {  	v19 =	vld [tilespmem:s25+$0xFFFFFF90];
	v23 =	vshll.u32 v30, $0x7;
	v18 =	vor.u32 v1, v18  }
0xb7: {  	v14 =	vshll.u32 v14, $0x7;
	v23 =	vor.u32 v1, v23;
	[tilespmem:v21+s17+$0x0] =	vst.idx.add.f32.msk $0xffff, v2  }
0xb8: {  	v13 =	vshll.u32 v13, $0x7;
	v14 =	vor.u32 v1, v14;
	[tilespmem:v20+s17+$0x0] =	vst.idx.add.f32.msk $0xffff, v2  }
0xb9: {  	v20 =	vshll.u32 v11, $0x7;
	v11 =	vor.u32 v1, v13;
	[tilespmem:v22+s17+$0x0] =	vst.idx.add.f32.msk $0xffff, v2  }
0xba: {  	v12 =	vshll.u32 v12, $0x7;
	v13 =	vor.u32 v1, v20;
	[tilespmem:v16+s17+$0x0] =	vst.idx.add.f32.msk $0xffff, v2  }
0xbb: {  	v16 =	vshll.u32 v19, $0x7;
	v19 =	vor.u32 v1, v12;
	[tilespmem:v15+s17+$0x0] =	vst.idx.add.f32.msk $0xffff, v2  }
.Ltmp0:
0xbc: {  	v12 =	vor.u32 v1, v16;
	[tilespmem:v23+s17+$0x0] =	vst.idx.add.f32.msk $0xffff, v2;
	(pc) =	sbr.rel @p0 .LBB2_2-.Ltmp0, $4  }
0xbd: {  	[tilespmem:v14+s17+$0x0] =	vst.idx.add.f32.msk $0xffff, v2  }
0xbe: {  	[tilespmem:v18+s17+$0x0] =	vst.idx.add.f32.msk $0xffff, v2  }
0xbf: {  	[tilespmem:v13+s17+$0x0] =	vst.idx.add.f32.msk $0xffff, v2  }
0xc0: {  	[tilespmem:v19+s17+$0x0] =	vst.idx.add.f32.msk $0xffff, v2  }
0xc1: {  	_ =	sdelay $0x3  }
0xc2: {  	[tilespmem:v12+s17+$0x0] =	vst.idx.add.f32.msk $0xffff, v2  }
0xc3: {  	[tilespmem:v11+s17+$0x0] =	vst.idx.add.f32.msk $0xffff, v2  }
0xc4: {  	_ =	swait.ge [sflag:s18], $0x2000  }
0xc5: {  	[sflag:s18] =	ssyncset.done $0x0  }
0xc6: {  	s25 =	simm.s32 $0x20F0;
	[sflag:s18] =	ssyncadd.s32 $0xFFFFE000  }
0xc7: {  	v11 =	vld [tilespmem:s25+$0xFFFFFF30]  }
0xc8: {  	v12 =	vld [tilespmem:s25+$0xFFFFFF40]  }
0xc9: {  	v13 =	vld [tilespmem:s25+$0xFFFFFF50]  }
0xca: {  	v14 =	vld [tilespmem:s25+$0xFFFFFF60]  }
0xcb: {  	v15 =	vld [tilespmem:s25+$0xFFFFFF10]  }
0xcc: {  	v16 =	vld [tilespmem:s25+$0x0]  }
0xcd: {  	v18 =	vld [tilespmem:s25+$0xFFFFFFF0]  }
0xce: {  	v19 =	vld [tilespmem:s25+$0xFFFFFFE0]  }
0xcf: {  	v20 =	vld [tilespmem:s25+$0xFFFFFFD0]  }
0xd0: {  	v21 =	vld [tilespmem:s25+$0xFFFFFFC0]  }
0xd1: {  	v30 =	vld [tilespmem:s25+$0xFFFFFF70];
	v15 =	vshll.u32 v15, $0x7  }
0xd2: {  	v22 =	vld [tilespmem:s25+$0xFFFFFFB0];
	v16 =	vshll.u32 v16, $0x7;
	v15 =	vor.u32 v1, v15  }
0xd3: {  	v23 =	vld [tilespmem:s25+$0xFFFFFFA0];
	v18 =	vshll.u32 v18, $0x7;
	v16 =	vor.u32 v1, v16  }
0xd4: {  	v24 =	vld [tilespmem:s25+$0xFFFFFF90];
	v19 =	vshll.u32 v19, $0x7;
	v18 =	vor.u32 v1, v18  }
0xd5: {  	v25 =	vld [tilespmem:s25+$0xFFFFFF80];
	v20 =	vshll.u32 v20, $0x7;
	v19 =	vor.u32 v1, v19  }
0xd6: {  	v61 =	vld [tilespmem:s25+$0xFFFFFF20];
	v62 =	vshll.u32 v30, $0x7;
	v20 =	vor.u32 v1, v20  }
0xd7: {  	v60 =	vshll.u32 v22, $0x7;
	v14 =	vshll.u32 v14, $0x7;
	v22 =	vor.u32 v1, v62;
	[tilespmem:v15+s17+$0x0] =	vst.idx.add.f32.msk $0xffff, v2  }
0xd8: {  	v21 =	vshll.u32 v21, $0x7;
	v14 =	vor.u32 v1, v14;
	[tilespmem:v16+s17+$0x0] =	vst.idx.add.f32.msk $0xffff, v2  }
0xd9: {  	v12 =	vshll.u32 v12, $0x7;
	v15 =	vor.u32 v1, v21;
	[tilespmem:v18+s17+$0x0] =	vst.idx.add.f32.msk $0xffff, v2  }
0xda: {  	v11 =	vshll.u32 v11, $0x7;
	v12 =	vor.u32 v1, v12;
	[tilespmem:v19+s17+$0x0] =	vst.idx.add.f32.msk $0xffff, v2  }
0xdb: {  	v58 =	vshll.u32 v23, $0x7;
	v63 =	vor.u32 v1, v11;
	[tilespmem:v20+s17+$0x0] =	vst.idx.add.f32.msk $0xffff, v2  }
0xdc: {  	v59 =	vshll.u32 v24, $0x7;
	v21 =	vor.u32 v1, v58;
	[tilespmem:v22+s17+$0x0] =	vst.idx.add.f32.msk $0xffff, v2  }
0xdd: {  	v16 =	vor.u32 v1, v59;
	[tilespmem:v14+s17+$0x0] =	vst.idx.add.f32.msk $0xffff, v2  }
0xde: {  	v18 =	vor.u32 v1, v60;
	[tilespmem:v15+s17+$0x0] =	vst.idx.add.f32.msk $0xffff, v2;
	v15 =	vshll.u32 v25, $0x7  }
0xdf: {  	v11 =	vshll.u32 v13, $0x7;
	v13 =	vshll.u32 v61, $0x7;
	[tilespmem:v12+s17+$0x0] =	vst.idx.add.f32.msk $0xffff, v2;
	v15 =	vor.u32 v1, v15  }
0xe0: {  	v12 =	vor.u32 v1, v13;
	[tilespmem:v63+s17+$0x0] =	vst.idx.add.f32.msk $0xffff, v2  }
0xe1: {  	v11 =	vor.u32 v1, v11;
	[tilespmem:v21+s17+$0x0] =	vst.idx.add.f32.msk $0xffff, v2  }
0xe2: {  	[tilespmem:v16+s17+$0x0] =	vst.idx.add.f32.msk $0xffff, v2  }
0xe3: {  	[tilespmem:v18+s17+$0x0] =	vst.idx.add.f32.msk $0xffff, v2  }
0xe4: {  	s26 =	simm.s32 $0x200;
	[tilespmem:v15+s17+$0x0] =	vst.idx.add.f32.msk $0xffff, v2  }
.LBB2_4:
0xe5: {  	s26 =	sadd.s32 $0x10, s26;
	[tilespmem:v12+s17+$0x0] =	vst.idx.add.f32.msk $0xffff, v2;
	s25 =	sadd.s32 $0x100, s25  }
0xe6: {  	p0 =	slt.u32 s26, $0x3F0;
	[tilespmem:v11+s17+$0x0] =	vst.idx.add.f32.msk $0xffff, v2  }
0xe7: {  	v12 =	vld [tilespmem:s25+$0xFFFFFF30]  }
0xe8: {  	v11 =	vld [tilespmem:s25+$0xFFFFFF40]  }
0xe9: {  	v13 =	vld [tilespmem:s25+$0xFFFFFF50]  }
0xea: {  	v14 =	vld [tilespmem:s25+$0xFFFFFF60]  }
0xeb: {  	v15 =	vld [tilespmem:s25+$0xFFFFFF10]  }
0xec: {  	v16 =	vld [tilespmem:s25+$0x0]  }
0xed: {  	v18 =	vld [tilespmem:s25+$0xFFFFFFF0]  }
0xee: {  	v19 =	vld [tilespmem:s25+$0xFFFFFFE0]  }
0xef: {  	v20 =	vld [tilespmem:s25+$0xFFFFFFD0]  }
0xf0: {  	v15 =	vshll.u32 v15, $0x7;
	v21 =	vld [tilespmem:s25+$0xFFFFFFC0]  }
0xf1: {  	v15 =	vor.u32 v1, v15;
	v22 =	vld [tilespmem:s25+$0xFFFFFFB0];
	v16 =	vshll.u32 v16, $0x7  }
0xf2: {  	v23 =	vld [tilespmem:s25+$0xFFFFFFA0];
	v18 =	vshll.u32 v18, $0x7;
	v16 =	vor.u32 v1, v16  }
0xf3: {  	v24 =	vld [tilespmem:s25+$0xFFFFFF90];
	v19 =	vshll.u32 v19, $0x7;
	v18 =	vor.u32 v1, v18  }
0xf4: {  	v25 =	vld [tilespmem:s25+$0xFFFFFF80];
	v20 =	vshll.u32 v20, $0x7;
	v19 =	vor.u32 v1, v19  }
0xf5: {  	v30 =	vld [tilespmem:s25+$0xFFFFFF70];
	v21 =	vshll.u32 v21, $0x7  }
0xf6: {  	[tilespmem:v15+s17+$0x0] =	vst.idx.add.f32.msk $0xffff, v2;
	v15 =	vshll.u32 v22, $0x7;
	v21 =	vor.u32 v1, v21  }
0xf7: {  	v20 =	vor.u32 v1, v20;
	v22 =	vshll.u32 v23, $0x7;
	v15 =	vor.u32 v1, v15;
	[tilespmem:v16+s17+$0x0] =	vst.idx.add.f32.msk $0xffff, v2  }
0xf8: {  	v16 =	vshll.u32 v24, $0x7;
	v22 =	vor.u32 v1, v22;
	[tilespmem:v18+s17+$0x0] =	vst.idx.add.f32.msk $0xffff, v2  }
0xf9: {  	v18 =	vshll.u32 v25, $0x7;
	v16 =	vor.u32 v1, v16;
	[tilespmem:v19+s17+$0x0] =	vst.idx.add.f32.msk $0xffff, v2  }
0xfa: {  	v19 =	vld [tilespmem:s25+$0xFFFFFF20];
	v23 =	vshll.u32 v30, $0x7;
	v18 =	vor.u32 v1, v18  }
0xfb: {  	v14 =	vshll.u32 v14, $0x7;
	v23 =	vor.u32 v1, v23;
	[tilespmem:v21+s17+$0x0] =	vst.idx.add.f32.msk $0xffff, v2  }
0xfc: {  	v13 =	vshll.u32 v13, $0x7;
	v14 =	vor.u32 v1, v14;
	[tilespmem:v20+s17+$0x0] =	vst.idx.add.f32.msk $0xffff, v2  }
0xfd: {  	v20 =	vshll.u32 v11, $0x7;
	v11 =	vor.u32 v1, v13;
	[tilespmem:v22+s17+$0x0] =	vst.idx.add.f32.msk $0xffff, v2  }
0xfe: {  	v12 =	vshll.u32 v12, $0x7;
	v13 =	vor.u32 v1, v20;
	[tilespmem:v16+s17+$0x0] =	vst.idx.add.f32.msk $0xffff, v2  }
0xff: {  	v16 =	vshll.u32 v19, $0x7;
	v19 =	vor.u32 v1, v12;
	[tilespmem:v15+s17+$0x0] =	vst.idx.add.f32.msk $0xffff, v2  }
.Ltmp1:
0x100: {  	v12 =	vor.u32 v1, v16;
	[tilespmem:v23+s17+$0x0] =	vst.idx.add.f32.msk $0xffff, v2;
	(pc) =	sbr.rel @p0 .LBB2_4-.Ltmp1, $4  }
0x101: {  	[tilespmem:v14+s17+$0x0] =	vst.idx.add.f32.msk $0xffff, v2  }
0x102: {  	[tilespmem:v18+s17+$0x0] =	vst.idx.add.f32.msk $0xffff, v2  }
0x103: {  	[tilespmem:v13+s17+$0x0] =	vst.idx.add.f32.msk $0xffff, v2  }
0x104: {  	[tilespmem:v19+s17+$0x0] =	vst.idx.add.f32.msk $0xffff, v2  }
0x105: {  	_ =	sdelay $0x3  }
0x106: {  	[tilespmem:v12+s17+$0x0] =	vst.idx.add.f32.msk $0xffff, v2  }
0x107: {  	[tilespmem:v11+s17+$0x0] =	vst.idx.add.f32.msk $0xffff, v2  }
0x108: {  	_ =	swait.ge [sflag:s19], $0x2000  }
0x109: {  	[sflag:s19] =	ssyncset.done $0x0  }
0x10a: {  	s25 =	simm.s32 $0x40F0;
	[sflag:s19] =	ssyncadd.s32 $0xFFFFE000  }
0x10b: {  	v11 =	vld [tilespmem:s25+$0xFFFFFF30]  }
0x10c: {  	v12 =	vld [tilespmem:s25+$0xFFFFFF40]  }
0x10d: {  	v13 =	vld [tilespmem:s25+$0xFFFFFF50]  }
0x10e: {  	v14 =	vld [tilespmem:s25+$0xFFFFFF60]  }
0x10f: {  	v15 =	vld [tilespmem:s25+$0xFFFFFF10]  }
0x110: {  	v16 =	vld [tilespmem:s25+$0x0]  }
0x111: {  	v18 =	vld [tilespmem:s25+$0xFFFFFFF0]  }
0x112: {  	v19 =	vld [tilespmem:s25+$0xFFFFFFE0]  }
0x113: {  	v20 =	vld [tilespmem:s25+$0xFFFFFFD0]  }
0x114: {  	v21 =	vld [tilespmem:s25+$0xFFFFFFC0]  }
0x115: {  	v30 =	vld [tilespmem:s25+$0xFFFFFF70];
	v15 =	vshll.u32 v15, $0x7  }
0x116: {  	v22 =	vld [tilespmem:s25+$0xFFFFFFB0];
	v16 =	vshll.u32 v16, $0x7;
	v15 =	vor.u32 v1, v15  }
0x117: {  	v23 =	vld [tilespmem:s25+$0xFFFFFFA0];
	v18 =	vshll.u32 v18, $0x7;
	v16 =	vor.u32 v1, v16  }
0x118: {  	v24 =	vld [tilespmem:s25+$0xFFFFFF90];
	v19 =	vshll.u32 v19, $0x7;
	v18 =	vor.u32 v1, v18  }
0x119: {  	v25 =	vld [tilespmem:s25+$0xFFFFFF80];
	v20 =	vshll.u32 v20, $0x7;
	v19 =	vor.u32 v1, v19  }
0x11a: {  	v61 =	vld [tilespmem:s25+$0xFFFFFF20];
	v62 =	vshll.u32 v30, $0x7;
	v20 =	vor.u32 v1, v20  }
0x11b: {  	v60 =	vshll.u32 v22, $0x7;
	v14 =	vshll.u32 v14, $0x7;
	v22 =	vor.u32 v1, v62;
	[tilespmem:v15+s17+$0x0] =	vst.idx.add.f32.msk $0xffff, v2  }
0x11c: {  	v21 =	vshll.u32 v21, $0x7;
	v14 =	vor.u32 v1, v14;
	[tilespmem:v16+s17+$0x0] =	vst.idx.add.f32.msk $0xffff, v2  }
0x11d: {  	v12 =	vshll.u32 v12, $0x7;
	v15 =	vor.u32 v1, v21;
	[tilespmem:v18+s17+$0x0] =	vst.idx.add.f32.msk $0xffff, v2  }
0x11e: {  	v11 =	vshll.u32 v11, $0x7;
	v12 =	vor.u32 v1, v12;
	[tilespmem:v19+s17+$0x0] =	vst.idx.add.f32.msk $0xffff, v2  }
0x11f: {  	v58 =	vshll.u32 v23, $0x7;
	v63 =	vor.u32 v1, v11;
	[tilespmem:v20+s17+$0x0] =	vst.idx.add.f32.msk $0xffff, v2  }
0x120: {  	v59 =	vshll.u32 v24, $0x7;
	v21 =	vor.u32 v1, v58;
	[tilespmem:v22+s17+$0x0] =	vst.idx.add.f32.msk $0xffff, v2  }
0x121: {  	v16 =	vor.u32 v1, v59;
	[tilespmem:v14+s17+$0x0] =	vst.idx.add.f32.msk $0xffff, v2  }
0x122: {  	v18 =	vor.u32 v1, v60;
	[tilespmem:v15+s17+$0x0] =	vst.idx.add.f32.msk $0xffff, v2;
	v15 =	vshll.u32 v25, $0x7  }
0x123: {  	v11 =	vshll.u32 v13, $0x7;
	v13 =	vshll.u32 v61, $0x7;
	[tilespmem:v12+s17+$0x0] =	vst.idx.add.f32.msk $0xffff, v2;
	v15 =	vor.u32 v1, v15  }
0x124: {  	v12 =	vor.u32 v1, v13;
	[tilespmem:v63+s17+$0x0] =	vst.idx.add.f32.msk $0xffff, v2  }
0x125: {  	v11 =	vor.u32 v1, v11;
	[tilespmem:v21+s17+$0x0] =	vst.idx.add.f32.msk $0xffff, v2  }
0x126: {  	[tilespmem:v16+s17+$0x0] =	vst.idx.add.f32.msk $0xffff, v2  }
0x127: {  	[tilespmem:v18+s17+$0x0] =	vst.idx.add.f32.msk $0xffff, v2  }
0x128: {  	s26 =	simm.s32 $0x400;
	[tilespmem:v15+s17+$0x0] =	vst.idx.add.f32.msk $0xffff, v2  }
.LBB2_6:
0x129: {  	s26 =	sadd.s32 $0x10, s26;
	[tilespmem:v12+s17+$0x0] =	vst.idx.add.f32.msk $0xffff, v2;
	s25 =	sadd.s32 $0x100, s25  }
0x12a: {  	p0 =	slt.u32 s26, $0x5F0;
	[tilespmem:v11+s17+$0x0] =	vst.idx.add.f32.msk $0xffff, v2  }
0x12b: {  	v12 =	vld [tilespmem:s25+$0xFFFFFF30]  }
0x12c: {  	v11 =	vld [tilespmem:s25+$0xFFFFFF40]  }
0x12d: {  	v13 =	vld [tilespmem:s25+$0xFFFFFF50]  }
0x12e: {  	v14 =	vld [tilespmem:s25+$0xFFFFFF60]  }
0x12f: {  	v15 =	vld [tilespmem:s25+$0xFFFFFF10]  }
0x130: {  	v16 =	vld [tilespmem:s25+$0x0]  }
0x131: {  	v18 =	vld [tilespmem:s25+$0xFFFFFFF0]  }
0x132: {  	v19 =	vld [tilespmem:s25+$0xFFFFFFE0]  }
0x133: {  	v20 =	vld [tilespmem:s25+$0xFFFFFFD0]  }
0x134: {  	v15 =	vshll.u32 v15, $0x7;
	v21 =	vld [tilespmem:s25+$0xFFFFFFC0]  }
0x135: {  	v15 =	vor.u32 v1, v15;
	v22 =	vld [tilespmem:s25+$0xFFFFFFB0];
	v16 =	vshll.u32 v16, $0x7  }
0x136: {  	v23 =	vld [tilespmem:s25+$0xFFFFFFA0];
	v18 =	vshll.u32 v18, $0x7;
	v16 =	vor.u32 v1, v16  }
0x137: {  	v24 =	vld [tilespmem:s25+$0xFFFFFF90];
	v19 =	vshll.u32 v19, $0x7;
	v18 =	vor.u32 v1, v18  }
0x138: {  	v25 =	vld [tilespmem:s25+$0xFFFFFF80];
	v20 =	vshll.u32 v20, $0x7;
	v19 =	vor.u32 v1, v19  }
0x139: {  	v30 =	vld [tilespmem:s25+$0xFFFFFF70];
	v21 =	vshll.u32 v21, $0x7  }
0x13a: {  	[tilespmem:v15+s17+$0x0] =	vst.idx.add.f32.msk $0xffff, v2;
	v15 =	vshll.u32 v22, $0x7;
	v21 =	vor.u32 v1, v21  }
0x13b: {  	v20 =	vor.u32 v1, v20;
	v22 =	vshll.u32 v23, $0x7;
	v15 =	vor.u32 v1, v15;
	[tilespmem:v16+s17+$0x0] =	vst.idx.add.f32.msk $0xffff, v2  }
0x13c: {  	v16 =	vshll.u32 v24, $0x7;
	v22 =	vor.u32 v1, v22;
	[tilespmem:v18+s17+$0x0] =	vst.idx.add.f32.msk $0xffff, v2  }
0x13d: {  	v18 =	vshll.u32 v25, $0x7;
	v16 =	vor.u32 v1, v16;
	[tilespmem:v19+s17+$0x0] =	vst.idx.add.f32.msk $0xffff, v2  }
0x13e: {  	v19 =	vld [tilespmem:s25+$0xFFFFFF20];
	v23 =	vshll.u32 v30, $0x7;
	v18 =	vor.u32 v1, v18  }
0x13f: {  	v14 =	vshll.u32 v14, $0x7;
	v23 =	vor.u32 v1, v23;
	[tilespmem:v21+s17+$0x0] =	vst.idx.add.f32.msk $0xffff, v2  }
0x140: {  	v13 =	vshll.u32 v13, $0x7;
	v14 =	vor.u32 v1, v14;
	[tilespmem:v20+s17+$0x0] =	vst.idx.add.f32.msk $0xffff, v2  }
0x141: {  	v20 =	vshll.u32 v11, $0x7;
	v11 =	vor.u32 v1, v13;
	[tilespmem:v22+s17+$0x0] =	vst.idx.add.f32.msk $0xffff, v2  }
0x142: {  	v12 =	vshll.u32 v12, $0x7;
	v13 =	vor.u32 v1, v20;
	[tilespmem:v16+s17+$0x0] =	vst.idx.add.f32.msk $0xffff, v2  }
0x143: {  	v16 =	vshll.u32 v19, $0x7;
	v19 =	vor.u32 v1, v12;
	[tilespmem:v15+s17+$0x0] =	vst.idx.add.f32.msk $0xffff, v2  }
.Ltmp2:
0x144: {  	v12 =	vor.u32 v1, v16;
	[tilespmem:v23+s17+$0x0] =	vst.idx.add.f32.msk $0xffff, v2;
	(pc) =	sbr.rel @p0 .LBB2_6-.Ltmp2, $4  }
0x145: {  	[tilespmem:v14+s17+$0x0] =	vst.idx.add.f32.msk $0xffff, v2  }
0x146: {  	[tilespmem:v18+s17+$0x0] =	vst.idx.add.f32.msk $0xffff, v2  }
0x147: {  	[tilespmem:v13+s17+$0x0] =	vst.idx.add.f32.msk $0xffff, v2  }
0x148: {  	[tilespmem:v19+s17+$0x0] =	vst.idx.add.f32.msk $0xffff, v2  }
0x149: {  	_ =	sdelay $0x3  }
0x14a: {  	[tilespmem:v12+s17+$0x0] =	vst.idx.add.f32.msk $0xffff, v2  }
0x14b: {  	[tilespmem:v11+s17+$0x0] =	vst.idx.add.f32.msk $0xffff, v2  }
0x14c: {  	_ =	swait.ge [sflag:s20], $0x2000  }
0x14d: {  	[sflag:s20] =	ssyncset.done $0x0  }
0x14e: {  	s25 =	simm.s32 $0x60F0;
	[sflag:s20] =	ssyncadd.s32 $0xFFFFE000  }
0x14f: {  	v11 =	vld [tilespmem:s25+$0xFFFFFF30]  }
0x150: {  	v12 =	vld [tilespmem:s25+$0xFFFFFF40]  }
0x151: {  	v13 =	vld [tilespmem:s25+$0xFFFFFF50]  }
0x152: {  	v14 =	vld [tilespmem:s25+$0xFFFFFF60]  }
0x153: {  	v15 =	vld [tilespmem:s25+$0xFFFFFF10]  }
0x154: {  	v16 =	vld [tilespmem:s25+$0x0]  }
0x155: {  	v18 =	vld [tilespmem:s25+$0xFFFFFFF0]  }
0x156: {  	v19 =	vld [tilespmem:s25+$0xFFFFFFE0]  }
0x157: {  	v20 =	vld [tilespmem:s25+$0xFFFFFFD0]  }
0x158: {  	v21 =	vld [tilespmem:s25+$0xFFFFFFC0]  }
0x159: {  	v30 =	vld [tilespmem:s25+$0xFFFFFF70];
	v15 =	vshll.u32 v15, $0x7  }
0x15a: {  	v22 =	vld [tilespmem:s25+$0xFFFFFFB0];
	v16 =	vshll.u32 v16, $0x7;
	v15 =	vor.u32 v1, v15  }
0x15b: {  	v23 =	vld [tilespmem:s25+$0xFFFFFFA0];
	v18 =	vshll.u32 v18, $0x7;
	v16 =	vor.u32 v1, v16  }
0x15c: {  	v24 =	vld [tilespmem:s25+$0xFFFFFF90];
	v19 =	vshll.u32 v19, $0x7;
	v18 =	vor.u32 v1, v18  }
0x15d: {  	v25 =	vld [tilespmem:s25+$0xFFFFFF80];
	v20 =	vshll.u32 v20, $0x7;
	v19 =	vor.u32 v1, v19  }
0x15e: {  	v61 =	vld [tilespmem:s25+$0xFFFFFF20];
	v62 =	vshll.u32 v30, $0x7;
	v20 =	vor.u32 v1, v20  }
0x15f: {  	v60 =	vshll.u32 v22, $0x7;
	v14 =	vshll.u32 v14, $0x7;
	v22 =	vor.u32 v1, v62;
	[tilespmem:v15+s17+$0x0] =	vst.idx.add.f32.msk $0xffff, v2  }
0x160: {  	v21 =	vshll.u32 v21, $0x7;
	v14 =	vor.u32 v1, v14;
	[tilespmem:v16+s17+$0x0] =	vst.idx.add.f32.msk $0xffff, v2  }
0x161: {  	v12 =	vshll.u32 v12, $0x7;
	v15 =	vor.u32 v1, v21;
	[tilespmem:v18+s17+$0x0] =	vst.idx.add.f32.msk $0xffff, v2  }
0x162: {  	v11 =	vshll.u32 v11, $0x7;
	v12 =	vor.u32 v1, v12;
	[tilespmem:v19+s17+$0x0] =	vst.idx.add.f32.msk $0xffff, v2  }
0x163: {  	v58 =	vshll.u32 v23, $0x7;
	v63 =	vor.u32 v1, v11;
	[tilespmem:v20+s17+$0x0] =	vst.idx.add.f32.msk $0xffff, v2  }
0x164: {  	v59 =	vshll.u32 v24, $0x7;
	v21 =	vor.u32 v1, v58;
	[tilespmem:v22+s17+$0x0] =	vst.idx.add.f32.msk $0xffff, v2  }
0x165: {  	v16 =	vor.u32 v1, v59;
	[tilespmem:v14+s17+$0x0] =	vst.idx.add.f32.msk $0xffff, v2  }
0x166: {  	v18 =	vor.u32 v1, v60;
	[tilespmem:v15+s17+$0x0] =	vst.idx.add.f32.msk $0xffff, v2;
	v15 =	vshll.u32 v25, $0x7  }
0x167: {  	v11 =	vshll.u32 v13, $0x7;
	v13 =	vshll.u32 v61, $0x7;
	[tilespmem:v12+s17+$0x0] =	vst.idx.add.f32.msk $0xffff, v2;
	v15 =	vor.u32 v1, v15  }
0x168: {  	v12 =	vor.u32 v1, v13;
	[tilespmem:v63+s17+$0x0] =	vst.idx.add.f32.msk $0xffff, v2  }
0x169: {  	v11 =	vor.u32 v1, v11;
	[tilespmem:v21+s17+$0x0] =	vst.idx.add.f32.msk $0xffff, v2  }
0x16a: {  	[tilespmem:v16+s17+$0x0] =	vst.idx.add.f32.msk $0xffff, v2  }
0x16b: {  	[tilespmem:v18+s17+$0x0] =	vst.idx.add.f32.msk $0xffff, v2  }
0x16c: {  	s26 =	simm.s32 $0x600;
	[tilespmem:v15+s17+$0x0] =	vst.idx.add.f32.msk $0xffff, v2  }
.LBB2_8:
0x16d: {  	s26 =	sadd.s32 $0x10, s26;
	[tilespmem:v12+s17+$0x0] =	vst.idx.add.f32.msk $0xffff, v2;
	s25 =	sadd.s32 $0x100, s25  }
0x16e: {  	p0 =	slt.u32 s26, $0x7F0;
	[tilespmem:v11+s17+$0x0] =	vst.idx.add.f32.msk $0xffff, v2  }
0x16f: {  	v12 =	vld [tilespmem:s25+$0xFFFFFF30]  }
0x170: {  	v11 =	vld [tilespmem:s25+$0xFFFFFF40]  }
0x171: {  	v13 =	vld [tilespmem:s25+$0xFFFFFF50]  }
0x172: {  	v14 =	vld [tilespmem:s25+$0xFFFFFF60]  }
0x173: {  	v15 =	vld [tilespmem:s25+$0xFFFFFF10]  }
0x174: {  	v16 =	vld [tilespmem:s25+$0x0]  }
0x175: {  	v18 =	vld [tilespmem:s25+$0xFFFFFFF0]  }
0x176: {  	v19 =	vld [tilespmem:s25+$0xFFFFFFE0]  }
0x177: {  	v20 =	vld [tilespmem:s25+$0xFFFFFFD0]  }
0x178: {  	v15 =	vshll.u32 v15, $0x7;
	v21 =	vld [tilespmem:s25+$0xFFFFFFC0]  }
0x179: {  	v15 =	vor.u32 v1, v15;
	v22 =	vld [tilespmem:s25+$0xFFFFFFB0];
	v16 =	vshll.u32 v16, $0x7  }
0x17a: {  	v23 =	vld [tilespmem:s25+$0xFFFFFFA0];
	v18 =	vshll.u32 v18, $0x7;
	v16 =	vor.u32 v1, v16  }
0x17b: {  	v24 =	vld [tilespmem:s25+$0xFFFFFF90];
	v19 =	vshll.u32 v19, $0x7;
	v18 =	vor.u32 v1, v18  }
0x17c: {  	v25 =	vld [tilespmem:s25+$0xFFFFFF80];
	v20 =	vshll.u32 v20, $0x7;
	v19 =	vor.u32 v1, v19  }
0x17d: {  	v30 =	vld [tilespmem:s25+$0xFFFFFF70];
	v21 =	vshll.u32 v21, $0x7  }
0x17e: {  	[tilespmem:v15+s17+$0x0] =	vst.idx.add.f32.msk $0xffff, v2;
	v15 =	vshll.u32 v22, $0x7;
	v21 =	vor.u32 v1, v21  }
0x17f: {  	v20 =	vor.u32 v1, v20;
	v22 =	vshll.u32 v23, $0x7;
	v15 =	vor.u32 v1, v15;
	[tilespmem:v16+s17+$0x0] =	vst.idx.add.f32.msk $0xffff, v2  }
0x180: {  	v16 =	vshll.u32 v24, $0x7;
	v22 =	vor.u32 v1, v22;
	[tilespmem:v18+s17+$0x0] =	vst.idx.add.f32.msk $0xffff, v2  }
0x181: {  	v18 =	vshll.u32 v25, $0x7;
	v16 =	vor.u32 v1, v16;
	[tilespmem:v19+s17+$0x0] =	vst.idx.add.f32.msk $0xffff, v2  }
0x182: {  	v19 =	vld [tilespmem:s25+$0xFFFFFF20];
	v23 =	vshll.u32 v30, $0x7;
	v18 =	vor.u32 v1, v18  }
0x183: {  	v14 =	vshll.u32 v14, $0x7;
	v23 =	vor.u32 v1, v23;
	[tilespmem:v21+s17+$0x0] =	vst.idx.add.f32.msk $0xffff, v2  }
0x184: {  	v13 =	vshll.u32 v13, $0x7;
	v14 =	vor.u32 v1, v14;
	[tilespmem:v20+s17+$0x0] =	vst.idx.add.f32.msk $0xffff, v2  }
0x185: {  	v20 =	vshll.u32 v11, $0x7;
	v11 =	vor.u32 v1, v13;
	[tilespmem:v22+s17+$0x0] =	vst.idx.add.f32.msk $0xffff, v2  }
0x186: {  	v12 =	vshll.u32 v12, $0x7;
	v13 =	vor.u32 v1, v20;
	[tilespmem:v16+s17+$0x0] =	vst.idx.add.f32.msk $0xffff, v2  }
0x187: {  	v16 =	vshll.u32 v19, $0x7;
	v19 =	vor.u32 v1, v12;
	[tilespmem:v15+s17+$0x0] =	vst.idx.add.f32.msk $0xffff, v2  }
.Ltmp3:
0x188: {  	v12 =	vor.u32 v1, v16;
	[tilespmem:v23+s17+$0x0] =	vst.idx.add.f32.msk $0xffff, v2;
	(pc) =	sbr.rel @p0 .LBB2_8-.Ltmp3, $4  }
0x189: {  	[tilespmem:v14+s17+$0x0] =	vst.idx.add.f32.msk $0xffff, v2  }
0x18a: {  	[tilespmem:v18+s17+$0x0] =	vst.idx.add.f32.msk $0xffff, v2  }
0x18b: {  	[tilespmem:v13+s17+$0x0] =	vst.idx.add.f32.msk $0xffff, v2  }
0x18c: {  	[tilespmem:v19+s17+$0x0] =	vst.idx.add.f32.msk $0xffff, v2  }
0x18d: {  	_ =	sdelay $0x3  }
0x18e: {  	[tilespmem:v12+s17+$0x0] =	vst.idx.add.f32.msk $0xffff, v2  }
0x18f: {  	[tilespmem:v11+s17+$0x0] =	vst.idx.add.f32.msk $0xffff, v2  }
0x190: {  	_ =	swait.ge [sflag:s21], $0x400  }
0x191: {  	[sflag:s21] =	ssyncset.done $0x0  }
0x192: {  	[sflag:s21] =	ssyncadd.s32 $0xFFFFFC00  }
0x193: {  	_ =	swait.ge [sflag:s21], $0x200  }
0x194: {  	[sflag:s21] =	ssyncset.done $0x0  }
0x195: {  	v3 =	vld [tilespmem:$0x1FE50];
	[sflag:s21] =	ssyncadd.s32 $0xFFFFFE00  }
0x196: {  	v7 =	vld [tilespmem:$0x8000]  }
0x197: {  	v14 =	vld [tilespmem:$0x8680]  }
0x198: {  	v24 =	vld [tilespmem:$0x8D00]  }
0x199: {  	v22 =	vld [tilespmem:$0x9380]  }
0x19a: {  	v15 =	vld [tilespmem:$0x8080]  }
0x19b: {  	v27 =	vld [tilespmem:$0x8700]  }
0x19c: {  	v19 =	vld [tilespmem:$0x8D80]  }
0x19d: {  	v20 =	vld [tilespmem:$0x9400]  }
0x19e: {  	v12 =	vld [tilespmem:$0x8100]  }
0x19f: {  	v13 =	vld [tilespmem:$0x8780]  }
0x1a0: {  	v61 =	vld [tilespmem:$0x8E00]  }
0x1a1: {  	v63 =	vld [tilespmem:$0x9480]  }
0x1a2: {  	v59 =	vld [tilespmem:$0x8180]  }
0x1a3: {  	v60 =	vld [tilespmem:$0x8800]  }
0x1a4: {  	v54 =	vld [tilespmem:$0x8E80]  }
0x1a5: {  	v57 =	vld [tilespmem:$0x9500]  }
0x1a6: {  	v47 =	vld [tilespmem:$0x8200]  }
0x1a7: {  	v50 =	vld [tilespmem:$0x8880]  }
0x1a8: {  	v39 =	vld [tilespmem:$0x8F00]  }
0x1a9: {  	v44 =	vld [tilespmem:$0x9580];
	v11 =	vadd.f32 $0.0e+00, v7  }
0x1aa: {  	v48 =	vld [tilespmem:$0x8280]  }
0x1ab: {  	v40 =	vld [tilespmem:$0x8900];
	v16 =	vadd.f32 v14, v11  }
0x1ac: {  	v45 =	vld [tilespmem:$0x8F80]  }
0x1ad: {  	v41 =	vld [tilespmem:$0x9600];
	v16 =	vadd.f32 v24, v16  }
0x1ae: {  	v35 =	vld [tilespmem:$0x8300];
	v18 =	vadd.f32 $0.0e+00, v15  }
0x1af: {  	v36 =	vld [tilespmem:$0x8980];
	v16 =	vadd.f32 v22, v16  }
0x1b0: {  	v32 =	vld [tilespmem:$0x9000];
	v18 =	vadd.f32 v27, v18  }
0x1b1: {  	v33 =	vld [tilespmem:$0x9680];
	(xrf2) =	vadd.scan.msk.f32 $0xffff, v16  }
0x1b2: {  	v31 =	vld [tilespmem:$0x8380];
	v25 =	vadd.f32 v19, v18  }
0x1b3: {  	v34 =	vld [tilespmem:$0x8A00]  }
0x1b4: {  	v37 =	vld [tilespmem:$0x9080];
	v16 =	vadd.f32 v20, v25  }
0x1b5: {  	v42 =	vld [tilespmem:$0x9700];
	v26 =	vadd.f32 $0.0e+00, v12  }
0x1b6: {  	v43 =	vld [tilespmem:$0x8400];
	(xrf2) =	vadd.scan.msk.f32 $0xffff, v16  }
0x1b7: {  	v49 =	vld [tilespmem:$0x8A80];
	v21 =	vadd.f32 $0.0e+00, v59;
	v16 =	vadd.f32 v13, v26  }
0x1b8: {  	v51 =	vld [tilespmem:$0x9100];
	v23 =	vadd.f32 $0.0e+00, v47  }
0x1b9: {  	v52 =	vld [tilespmem:$0x9780];
	v30 =	vadd.f32 v60, v21;
	v16 =	vadd.f32 v61, v16  }
0x1ba: {  	v55 =	vld [tilespmem:$0x8480];
	v28 =	vadd.f32 $0.0e+00, v14;
	v62 =	vadd.f32 v50, v23  }
0x1bb: {  	v56 =	vld [tilespmem:$0x8B00];
	v14 =	vadd.f32 v54, v30;
	v16 =	vadd.f32 v63, v16;
	v29, _, _ =	vpop (xrf2)  }
0x1bc: {  	v58 =	vld [tilespmem:$0x8B80];
	v46 =	vadd.f32 $0.0e+00, v48;
	v4 =	vadd.f32 $0.0e+00, v35;
	v18 =	vbroadcast v29, $0xF  }
0x1bd: {  	v5 =	vadd.f32 v39, v62;
	v30 =	vld [tilespmem:$0x9800];
	v14 =	vadd.f32 v57, v14;
	(xrf2) =	vadd.scan.msk.f32 $0xffff, v16  }
0x1be: {  	v29 =	vadd.f32 v15, v11;
	v11 =	vadd.f32 v40, v46;
	v18 =	vmul.f32 v3, v18;
	v3 =	vld [tilespmem:$0x1FE60]  }
0x1bf: {  	v6 =	vadd.f32 v36, v4;
	v62 =	vld [tilespmem:$0x8500];
	(xrf2) =	vadd.scan.msk.f32 $0xffff, v14;
	v14 =	vadd.f32 v44, v5  }
0x1c0: {  	v46 =	vld [tilespmem:$0x9880];
	v38, _, _ =	vpop (xrf2);
	v11 =	vadd.f32 v45, v11  }
0x1c1: {  	v7 =	vadd.f32 $0.0e+00, v31;
	v15 =	vadd.f32 v32, v6;
	(xrf2) =	vadd.scan.msk.f32 $0xffff, v14;
	v14 =	vld [tilespmem:$0x8580];
	v21 =	vbroadcast v38, $0xF  }
0x1c2: {  	v10 =	vadd.f32 $0.0e+00, v43;
	v38 =	vld [tilespmem:$0x9180];
	v11 =	vadd.f32 v41, v11  }
0x1c3: {  	v26 =	vadd.f32 v33, v15;
	v15 =	vld [tilespmem:$0x8600];
	v18 =	vadd.f32 $0.0e+00, v18;
	v53 =	vmul.f32 v3, v21  }
0x1c4: {  	v16 =	vadd.f32 v34, v7;
	v7 =	vadd.f32 $0.0e+00, v55;
	(xrf2) =	vadd.scan.msk.f32 $0xffff, v11;
	v11 =	vld [tilespmem:$0x8C00]  }
0x1c5: {  	(xrf2) =	vadd.scan.msk.f32 $0xffff, v26;
	v26 =	vld [tilespmem:$0x1FE70];
	v25 =	vadd.f32 v53, v18;
	v18 =	vadd.f32 v49, v10  }
0x1c6: {  	v16 =	vadd.f32 v37, v16;
	v3 =	vadd.f32 v56, v7;
	v21 =	vld [tilespmem:$0x9900]  }
0x1c7: {  	v4 =	vadd.f32 $0.0e+00, v62;
	v9, _, _ =	vpop (xrf2);
	v53 =	vld [tilespmem:$0x9200];
	v5 =	vadd.f32 v51, v18  }
0x1c8: {  	v23 =	vbroadcast v9, $0xF;
	v10 =	vadd.f32 v42, v16;
	v3 =	vadd.f32 v38, v3;
	v18 =	vld [tilespmem:$0x8C80]  }
0x1c9: {  	v7 =	vadd.f32 $0.0e+00, v14;
	v16 =	vld [tilespmem:$0x9280];
	v5 =	vadd.f32 v52, v5  }
0x1ca: {  	v4 =	vadd.f32 v58, v4;
	v17, _, _ =	vpop (xrf2);
	(xrf2) =	vadd.scan.msk.f32 $0xffff, v10;
	v3 =	vadd.f32 v30, v3;
	v6 =	vmul.f32 v26, v23;
	v23 =	vld [tilespmem:$0x9300]  }
0x1cb: {  	v8 =	vbroadcast v17, $0xF;
	v17 =	vld [tilespmem:$0x1FE80];
	(xrf2) =	vadd.scan.msk.f32 $0xffff, v5;
	v5 =	vadd.f32 v11, v7;
	v7 =	vadd.f32 $0.0e+00, v15  }
0x1cc: {  	v4 =	vadd.f32 v53, v4;
	v6 =	vadd.f32 v6, v25;
	v25 =	vld [tilespmem:$0x9980]  }
0x1cd: {  	v27 =	vadd.f32 v27, v28;
	v7 =	vadd.f32 v18, v7  }
0x1ce: {  	v28 =	vld [tilespmem:$0x1FE90];
	v4 =	vadd.f32 v46, v4;
	v5 =	vadd.f32 v16, v5  }
0x1cf: {  	v7 =	vadd.f32 v23, v7  }
0x1d0: {  	v8 =	vmul.f32 v17, v8;
	(xrf2) =	vadd.scan.msk.f32 $0xffff, v3;
	v3, _, _ =	vpop (xrf2);
	v5 =	vadd.f32 v21, v5  }
0x1d1: {  	v10 =	vld [tilespmem:$0x1FEA0];
	v3 =	vbroadcast v3, $0xF;
	(xrf2) =	vadd.scan.msk.f32 $0xffff, v4;
	v7 =	vadd.f32 v25, v7  }
0x1d2: {  	v9 =	vld [tilespmem:$0x1FEB0];
	v6 =	vadd.f32 v8, v6;
	v4, _, _ =	vpop (xrf2);
	(xrf2) =	vadd.scan.msk.f32 $0xffff, v5  }
0x1d3: {  	v8 =	vadd.f32 $0.0e+00, v24;
	v3 =	vmul.f32 v28, v3;
	v24, _, _ =	vpop (xrf2);
	(xrf2) =	vadd.scan.msk.f32 $0xffff, v7;
	v7 =	vadd.f32 v12, v29;
	v29 =	vld [tilespmem:$0x1FEC0]  }
0x1d4: {  	v22 =	vadd.f32 $0.0e+00, v22;
	v4 =	vbroadcast v4, $0xF  }
0x1d5: {  	v3 =	vadd.f32 v3, v6;
	v6 =	vadd.f32 v19, v8;
	v5 =	vbroadcast v24, $0xF;
	v19, _, _ =	vpop (xrf2)  }
0x1d6: {  	v8 =	vadd.f32 v20, v22;
	v4 =	vmul.f32 v10, v4;
	v22 =	vbroadcast v19, $0xF  }
0x1d7: {  	v12 =	vadd.f32 v13, v27;
	v6 =	vadd.f32 v61, v6;
	v20 =	vmul.f32 v9, v5  }
0x1d8: {  	v8 =	vadd.f32 v63, v8;
	v3 =	vadd.f32 v4, v3;
	v27 =	vmul.f32 v29, v22;
	v22 =	vld [tilespmem:$0x1FED0]  }
0x1d9: {  	v63 =	vld [tilespmem:$0x1FEF0];
	v7 =	vadd.f32 v59, v7;
	v12 =	vadd.f32 v60, v12  }
0x1da: {  	v24, _, _ =	vpop (xrf2);
	v59 =	vld [tilespmem:$0x1FEE0];
	v6 =	vadd.f32 v54, v6;
	v8 =	vadd.f32 v57, v8  }
0x1db: {  	v54 =	vld [tilespmem:$0x1FFA0];
	v19 =	vbroadcast v24, $0xF;
	v3 =	vadd.f32 v20, v3;
	v12 =	vadd.f32 v50, v12;
	v20, _, _ =	vpop (xrf2)  }
0x1dc: {  	v6 =	vadd.f32 v39, v6;
	v8 =	vadd.f32 v44, v8;
	v44 =	vld [tilespmem:$0x1FF50];
	v24 =	vbroadcast v20, $0xF  }
0x1dd: {  	v39 =	vadd.f32 v40, v12;
	v40 =	vld [tilespmem:$0x1FF20];
	v3 =	vadd.f32 v27, v3;
	v4 =	vmul.f32 v22, v19  }
0x1de: {  	v8 =	vadd.f32 v41, v8;
	v27, _, _ =	vpop (xrf2);
	v22 =	vld [tilespmem:$0x1FF00]  }
0x1df: {  	v41 =	vld [tilespmem:$0x1FF40];
	v60 =	vbroadcast v27, $0xF;
	v3 =	vadd.f32 v4, v3;
	v4 =	vmul.f32 v59, v24  }
0x1e0: {  	v7 =	vadd.f32 v47, v7;
	v6 =	vadd.f32 v45, v6;
	v61, _, _ =	vpop (xrf2);
	v27 =	vld [tilespmem:$0x1FF10]  }
0x1e1: {  	v45 =	vld [tilespmem:$0x1FF60];
	v19 =	vbroadcast v61, $0xF;
	v3 =	vadd.f32 v4, v3;
	v4 =	vmul.f32 v63, v60  }
0x1e2: {  	v47 =	vld [tilespmem:$0x1FF70];
	v7 =	vadd.f32 v48, v7;
	v20, _, _ =	vpop (xrf2)  }
0x1e3: {  	v48 =	vld [tilespmem:$0x1FF80];
	v24 =	vbroadcast v20, $0xF;
	v3 =	vadd.f32 v4, v3;
	v4 =	vmul.f32 v22, v19  }
0x1e4: {  	v50 =	vld [tilespmem:$0x1FF90];
	v6 =	vadd.f32 v32, v6  }
0x1e5: {  	v13 =	vld.idx.msk [tilespmem:v44+s14+$0x0], $0xffff;
	v3 =	vadd.f32 v4, v3;
	v4 =	vmul.f32 v27, v24  }
0x1e6: {  	v6 =	vadd.f32 v37, v6;
	v12 =	vld.idx.msk [tilespmem:v40+s14+$0x0], $0xffff  }
0x1e7: {  	v3 =	vadd.f32 v4, v3;
	v4 =	vld.idx.msk [tilespmem:v41+s14+$0x0], $0xffff  }
0x1e8: {  	v7 =	vadd.f32 v35, v7;
	v6 =	vadd.f32 v51, v6;
	v51 =	vld [tilespmem:$0x1FF30]  }
0x1e9: {  	v5 =	vadd.f32 v36, v39;
	v19 =	vld.idx.msk [tilespmem:v45+s14+$0x0], $0xffff;
	v3 =	vmul.f32 $9.536743160e-07, v3  }
0x1ea: {  	v8 =	vadd.f32 v33, v8;
	v7 =	vadd.f32 v31, v7;
	v20 =	vld.idx.msk [tilespmem:v47+s14+$0x0], $0xffff  }
0x1eb: {  	v5 =	vadd.f32 v34, v5;
	v22 =	vld.idx.msk [tilespmem:v48+s14+$0x0], $0xffff;
	v12 =	vmul.f32 v3, v12  }
0x1ec: {  	v8 =	vadd.f32 v42, v8;
	v7 =	vadd.f32 v43, v7;
	v24 =	vld.idx.msk [tilespmem:v50+s14+$0x0], $0xffff;
	v4 =	vmul.f32 v3, v4  }
0x1ed: {  	v5 =	vadd.f32 v49, v5;
	v27 =	vld.idx.msk [tilespmem:v54+s14+$0x0], $0xffff;
	v13 =	vmul.f32 v3, v13;
	v12 =	vmul.f32 v51, v12  }
0x1ee: {  	v8 =	vadd.f32 v52, v8;
	v19 =	vmul.f32 v3, v19;
	v4 =	vmul.f32 v51, v4  }
0x1ef: {  	v7 =	vadd.f32 v55, v7;
	v57 =	vmul.f32 v3, v20;
	v55 =	vmul.f32 v51, v13;
	(xrf2) =	vadd.scan.msk.f32 $0xffff, v12  }
0x1f0: {  	v5 =	vadd.f32 v56, v5;
	v60 =	vmul.f32 v3, v22;
	v59 =	vmul.f32 v51, v19;
	(xrf2) =	vadd.scan.msk.f32 $0xffff, v4  }
0x1f1: {  	v7 =	vadd.f32 v62, v7;
	v62 =	vmul.f32 v24, v3;
	v61 =	vmul.f32 v51, v57;
	(xrf2) =	vadd.scan.msk.f32 $0xffff, v55  }
0x1f2: {  	v6 =	vadd.f32 v38, v6;
	v3 =	vmul.f32 v27, v3;
	v63 =	vmul.f32 v51, v60;
	(xrf2) =	vadd.scan.msk.f32 $0xffff, v59  }
0x1f3: {  	v5 =	vadd.f32 v58, v5;
	v7 =	vadd.f32 v14, v7;
	v19 =	vmul.f32 v51, v62;
	(xrf2) =	vadd.scan.msk.f32 $0xffff, v61  }
0x1f4: {  	v8 =	vadd.f32 v30, v8;
	v6 =	vadd.f32 v53, v6;
	v3 =	vmul.f32 v51, v3;
	(xrf2) =	vadd.scan.msk.f32 $0xffff, v63  }
0x1f5: {  	v20 =	vadd.f32 v11, v5;
	v22 =	vadd.f32 v15, v7;
	(xrf2) =	vadd.scan.msk.f32 $0xffff, v19  }
0x1f6: {  	(xrf2) =	vadd.scan.msk.f32 $0xffff, v3;
	v3 =	vadd.f32 v16, v6  }
0x1f7: {  	v24 =	vadd.f32 v46, v8;
	v4 =	vadd.f32 v18, v20;
	(xrf2) =	vadd.scan.msk.f32 $0xffff, v22  }
0x1f8: {  	v3 =	vadd.f32 v23, v3  }
0x1f9: {  	v27 =	vadd.f32 v21, v24;
	v30, _, _ =	vpop (xrf2);
	(xrf2) =	vadd.scan.msk.f32 $0xffff, v4  }
0x1fa: {  	v31, _, _ =	vpop (xrf2)  }
0x1fb: {  	v5 =	vadd.f32 v25, v27;
	(xrf2) =	vadd.scan.msk.f32 $0xffff, v3;
	v32, _, _ =	vpop (xrf2)  }
0x1fc: {  	v3, _, _ =	vpop (xrf2)  }
0x1fd: {  	(xrf2) =	vadd.scan.msk.f32 $0xffff, v5;
	v33, _, _ =	vpop (xrf2)  }
0x1fe: {  	v34, _, _ =	vpop (xrf2)  }
0x1ff: {  	v35, _, _ =	vpop (xrf2)  }
0x200: {  	v36, _, _ =	vpop (xrf2)  }
0x201: {  	v40 =	vld [tilespmem:$0x1FE50];
	v37, _, _ =	vpop (xrf2)  }
0x202: {  	(v2sf) =	vpush v37, $0xF  }
0x203: {  	v42 =	vld [tilespmem:$0x1FE60];
	v38, _, _ =	vpop (xrf2)  }
0x204: {  	v6 =	vbroadcast v30, $0xF;
	(v2sf) =	vpush v38, $0xF  }
0x205: {  	v39, _, _ =	vpop (xrf2)  }
0x206: {  	v4 =	vbroadcast v31, $0xF;
	v6 =	vmul.f32 v40, v6;
	(v2sf) =	vpush v39, $0xF  }
0x207: {  	v46 =	vld [tilespmem:$0x1FFB0];
	v7 =	vbroadcast v32, $0xF;
	v41, _, _ =	vpop (xrf2)  }
0x208: {  	v4 =	vmul.f32 v42, v4;
	v6 =	vadd.f32 $0.0e+00, v6;
	(v2sf) =	vpush v41, $0xF  }
0x209: {  	v49 =	vld [tilespmem:$0x1FFD0]  }
0x20a: {  	v3 =	vbroadcast v3, $0xF;
	v43 =	vmul.f32 v26, v7;
	v4 =	vadd.f32 v6, v4  }
0x20b: {  	v52 =	vld [tilespmem:$0x1FFE0]  }
0x20c: {  	v5 =	vbroadcast v33, $0xF;
	v3 =	vmul.f32 v17, v3;
	v4 =	vadd.f32 v4, v43  }
0x20d: {  	v55 =	vld [tilespmem:$0x1FFF0]  }
0x20e: {  	v45 =	vbroadcast v34, $0xF;
	v44 =	vmul.f32 v28, v5;
	v3 =	vadd.f32 v4, v3  }
0x20f: {  	v6 =	vld.idx.msk [tilespmem:v46+s15+$0x0], $0xffff  }
0x210: {  	v56 =	vld [tilespmem:$0x1FFC0];
	v48 =	vbroadcast v35, $0xF;
	v47 =	vmul.f32 v10, v45;
	v3 =	vadd.f32 v3, v44  }
0x211: {  	v7 =	vld.idx.msk [tilespmem:v49+s15+$0x0], $0xffff;
	s25 =	spop (v2sf)  }
0x212: {  	v51 =	vbroadcast v36, $0xF;
	v50 =	vmul.f32 v9, v48;
	v3 =	vadd.f32 v3, v47;
	s25 =	smul.f32 $9.536743160e-07, s25  }
0x213: {  	v8 =	vld.idx.msk [tilespmem:v52+s15+$0x0], $0xffff;
	s26 =	spop (v2sf)  }
0x214: {  	v53 =	vmul.f32 v29, v51;
	v3 =	vadd.f32 v3, v50;
	v54 =	vmul.f32 s25, v6;
	s26 =	smul.f32 $9.536743160e-07, s26  }
0x215: {  	s28 =	spop (v2sf);
	v6 =	vld.idx.msk [tilespmem:v55+s15+$0x0], $0xffff  }
0x216: {  	v3 =	vadd.f32 v3, v53;
	s29 =	smul.f32 $9.536743160e-07, s28;
	v57 =	vmul.f32 v56, v54;
	v58 =	vmul.f32 s26, v7  }
0x217: {  	s30 =	spop (v2sf)  }
0x218: {  	s31 =	smul.f32 $9.536743160e-07, s30;
	v59 =	vmul.f32 s29, v8;
	v3 =	vadd.f32 v3, v57;
	v60 =	vmul.f32 v56, v58;
	_ =	sdelay $0x1  }
0x219: {  	v61 =	vmul.f32 v56, v59;
	v62 =	vmul.f32 s31, v6;
	v3 =	vadd.f32 v3, v60;
	_ =	sdelay $0x1  }
0x21a: {  	v63 =	vmul.f32 v56, v62;
	v3 =	vadd.f32 v3, v61;
	_ =	sdelay $0x1  }
0x21b: {  	s24 =	sadd.s32 $0x1, s24;
	v3 =	vadd.f32 v3, v63  }
0x21c: {  	p0 =	sne.s32 s24, s10  }
.Ltmp4:
0x21d: {  	[tilespmem:$0xA600] =	vst v3;
	(pc) =	sbr.rel @p0 .LBB2_1-.Ltmp4, $4  }
0x21e: {  	[hbm4b:s9+s4] =	stream.linear.scatter [tilespmem:s22], [sflag:$0x6], $0x80, $0x38;
	[tilespmem:$0xA680] =	vst v63  }
0x21f: {  	_ =	swait.ge [sflag:s23], $0x80  }
0x220: {  	[sflag:s23] =	ssyncset.done $0x0  }
0x221: {  	[sflag:s23] =	ssyncadd.s32 $0xFFFFFF80  }
0x222: {  	_ =	sfence.sel $0x180000  }
0x223: {  	[bflag:$0x0] =	sbarrier.arrive $0xFFFF  }
0x224: {  	p0 =	sne.s32 s3, $0x0;
	_ =	strace $0x90000047  }
0x225: {  	s0 =	sadd.s32 @!p0 $0x100000, s2;
	[bflag:$0x2] =	sbarrier.arrive $0xFFFF  }
0x226: {  	[sflag:s0] =	ssyncadd.tile.s32 @!p0 $0x1;
	_ =	shalt  }
.Lfunc_end2:
_tile_overlayer_lowered:
.L_overlay_start_2:
0x227: {  	(tag) =	ssettag $0x2  }
0x228: {  	s0 =	rddreg [dreg:$0x0];
	s2 =	stileid.u32  }
0x229: {  	s1 =	rddreg [dreg:$0x1];
	p0 =	sne.s32 s2, $0x0  }
0x22a: {  	s3 =	rddreg [dreg:$0x2];
	[bflag:$0x3] =	sbarrier.arrive $0xFFFF;
	s2 =	simm.s32 @!p0 $0x1C06  }
0x22b: {  	[timem:s3], [sflag:s2] =	dma.local @!p0 [hbm:s0], s1  }
0x22c: {  	s0 =	simm.s32 @!p0 $0x6  }
0x22d: {  	_ =	swait.ge @!p0 [sflag:s0], s1  }
0x22e: {  	s1 =	ssub.s32 @!p0 $0x0, s1;
	[sflag:s0] =	ssyncset.done @!p0 $0x0  }
0x22f: {  	[sflag:s0] =	ssyncadd.s32 @!p0 s1  }
0x230: {  	[bflag:$0x3] =	sbarrier.arrive $0xFFFF  }
0x231: {  	_ =	shalt  }

</sc_bundles>
